<compile_context>
chip_gen: v7x
topology: tpu7x:2x2x1
jax: 0.10.2.dev20260603
libtpu: 0.0.44.dev20260713+nightly
codegen_flags: <defaults>
</compile_context>

<pallas_src>
import functools

import jax
import jax.numpy as jnp
from jax import lax
from jax.experimental import pallas as pl
from jax.experimental.pallas import tpu as pltpu
from jax.experimental.pallas import tpu_sc as plsc

_T = 256
_T2 = 256
_NC, _NS = 2, 16
_NW = _NC * _NS
_R = 128


def _sc_dispatch(xl, pbase, ranks, m_tot):
    N, C = xl.shape
    rpw = N // _NW
    iters = rpw // _R
    assert rpw % _R == 0 and N % _NW == 0
    mesh = plsc.VectorSubcoreMesh(core_axis_name="c", subcore_axis_name="s",
                                  num_cores=_NC)

    @functools.partial(
        pl.kernel, mesh=mesh,
        out_type=[
            jax.ShapeDtypeStruct((m_tot, C), jnp.float32),
            jax.ShapeDtypeStruct((N,), jnp.int32),
        ],
        scratch_types=[
            pltpu.VMEM((_R,), jnp.int32),
            pltpu.VMEM((_R,), jnp.int32),
            pltpu.VMEM((_R,), jnp.int32),
            pltpu.VMEM((_R,), jnp.int32),
            pltpu.VMEM((_R,), jnp.int32),
            pltpu.VMEM((_R,), jnp.int32),
            pltpu.VMEM((2, _R, C), jnp.float32),
            pltpu.SemaphoreType.DMA,
            pltpu.SemaphoreType.DMA,
        ],
    )
    def k(xl_hbm, ids_hbm, ranks_hbm, out_hbm, dst_hbm,
          ids0, ids1, rk0, rk1, dst0, dst1, rows_v, sem_in, sem_out):
        wid = lax.axis_index("s") * _NC + lax.axis_index("c")
        base = wid * rpw
        idsb, rkb, dstb = (ids0, ids1), (rk0, rk1), (dst0, dst1)

        def fetch(it, b):
            off = base + it * _R
            pltpu.async_copy(ids_hbm.at[pl.ds(off, _R)], idsb[b], sem_in)
            pltpu.async_copy(ranks_hbm.at[pl.ds(off, _R)], rkb[b], sem_in)
            pltpu.async_copy(xl_hbm.at[pl.ds(off, _R)], rows_v.at[b],
                             sem_in)

        fetch(0, 0)

        @pl.loop(0, iters, step=2)
        def body(it):
            for b in range(2):
                itb = it + b
                off = base + itb * _R
                pltpu.make_async_copy(ids_hbm.at[pl.ds(off, _R)],
                                      idsb[b], sem_in).wait()
                pltpu.make_async_copy(ranks_hbm.at[pl.ds(off, _R)],
                                      rkb[b], sem_in).wait()
                pltpu.make_async_copy(xl_hbm.at[pl.ds(off, _R)],
                                      rows_v.at[b], sem_in).wait()

                @pl.when(itb + 1 < iters)
                def _():
                    fetch(itb + 1, 1 - b)

                for j in range(_R // 16):
                    sl = pl.ds(j * 16, 16)
                    dstb[b][sl] = idsb[b][sl] + rkb[b][sl]

                pltpu.async_copy(dstb[b], dst_hbm.at[pl.ds(off, _R)],
                                 sem_out)
                pltpu.async_copy(rows_v.at[b], out_hbm.at[dstb[b]],
                                 sem_out)
                pltpu.make_async_copy(dstb[b],
                                      dst_hbm.at[pl.ds(off, _R)],
                                      sem_out).wait()
                pltpu.make_async_copy(rows_v.at[b],
                                      out_hbm.at[dstb[b]],
                                      sem_out).wait()

    return k(xl, pbase, ranks)


def _leaky(x):
    return jnp.where(x >= 0, x, 0.01 * x)


def _sel16(h, i1):
    acc = jnp.zeros((32, h.shape[1]), jnp.float32)
    for e in range(16):
        acc = acc + jnp.where((i1 == e)[None, :], h[e * 32:(e + 1) * 32, :], 0.0)
    return acc


def _k1_body(x_ref, w1, b1, w2, b2, w3, b3, wa1, ba1, wa2, ba2, wa3, ba3,
             u_ref, o_ref, xl_ref, rank_ref, hist_ref, acc_ref):
    X = x_ref[0]
    s = _leaky(jnp.dot(w1[...], X, preferred_element_type=jnp.float32) + b1[...])
    s = _leaky(jnp.dot(w2[...], s, preferred_element_type=jnp.float32) + b2[...])
    s = jnp.dot(w3[...], s, preferred_element_type=jnp.float32) + b3[...]
    i1 = jnp.argmax(s, axis=0).astype(jnp.int32)
    h = _leaky(jnp.dot(wa1[...], X, preferred_element_type=jnp.float32) + ba1[...])
    y = _sel16(h, i1)
    h = _leaky(jnp.dot(wa2[...], y, preferred_element_type=jnp.float32) + ba2[...])
    y = _sel16(h, i1)
    h = jnp.dot(wa3[...], y, preferred_element_type=jnp.float32) + ba3[...]
    y = _sel16(h, i1)
    i2 = jnp.argmax(y, axis=0).astype(jnp.int32)
    i12 = jnp.clip(i1 * 16 + (i2 - 8), 0, 255)
    o_ref[0, 0, :] = i12
    xl_ref[...] = X.T
    T = i12.shape[0]

    @pl.when(pl.program_id(0) == 0)
    def _():
        acc_ref[...] = jnp.zeros_like(acc_ref)

    cls = jax.lax.broadcasted_iota(jnp.int32, (256, T), 0)
    M = (cls == i12[None, :]).astype(jnp.float32)
    P = jnp.dot(M, u_ref[...], preferred_element_type=jnp.float32)
    run = acc_ref[...]
    rank = jnp.sum((P + run) * M, axis=0) - 1.0
    rank_ref[0, 0, :] = rank.astype(jnp.int32)
    tile_h = P[:, T - 1:T]
    hist_ref[0, :, :] = tile_h.astype(jnp.int32)
    acc_ref[...] = run + tile_h


def _k3_body(e_ref, x_ref, w1_ref, b1_ref, w2_ref, b2_ref, w3_ref, b3_ref,
             o_ref):
    e = e_ref[pl.program_id(0)]
    Xg = x_ref[0]
    z = _leaky(jnp.dot(Xg, w1_ref[0], preferred_element_type=jnp.float32)
               + b1_ref[0, 0, :])
    z = _leaky(jnp.dot(z, w2_ref[0], preferred_element_type=jnp.float32)
               + b2_ref[0, 0, :])
    z = jnp.dot(z, w3_ref[0], preferred_element_type=jnp.float32) + b3_ref[0, 0, :]
    i3 = jnp.argmax(z, axis=1).astype(jnp.int32)
    o_ref[0, 0, :] = jnp.clip(e * 16 + (i3 - 8), 0, 4095)


def kernel(x_in, conv1_w, conv1_b, conv2_w, conv2_b, conv3_w, conv3_b,
           cm1_1_w, cm1_1_b, cm2_1_w, cm2_1_b, cm3_1_w, cm3_1_b,
           cm1_2_w, cm1_2_b, cm2_2_w, cm2_2_b, cm3_2_w, cm3_2_b):
    B, C, H, W = x_in.shape
    HW = H * W
    N = B * HW
    G = N // _T
    GPB = HW // _T
    xr = x_in.reshape(B, C, HW)

    wa1 = cm1_1_w.transpose(0, 2, 1).reshape(512, C)
    wa2 = cm2_1_w.transpose(0, 2, 1).reshape(512, 32)
    wa3 = cm3_1_w.transpose(0, 2, 1).reshape(512, 32)
    ba1 = cm1_1_b.reshape(512, 1)
    ba2 = cm2_1_b.reshape(512, 1)
    ba3 = cm3_1_b.reshape(512, 1)

    const = lambda i: (0, 0)
    k1_out = pl.pallas_call(
        _k1_body,
        grid=(G,),
        in_specs=[
            pl.BlockSpec((1, C, _T), lambda i: (i // GPB, 0, i % GPB)),
            pl.BlockSpec((32, C), const),
            pl.BlockSpec((32, 1), const),
            pl.BlockSpec((32, 32), const),
            pl.BlockSpec((32, 1), const),
            pl.BlockSpec((16, 32), const),
            pl.BlockSpec((16, 1), const),
            pl.BlockSpec((512, C), const),
            pl.BlockSpec((512, 1), const),
            pl.BlockSpec((512, 32), const),
            pl.BlockSpec((512, 1), const),
            pl.BlockSpec((512, 32), const),
            pl.BlockSpec((512, 1), const),
            pl.BlockSpec((_T, _T), const),
        ],
        out_specs=[
            pl.BlockSpec((1, 1, _T), lambda i: (i, 0, 0)),
            pl.BlockSpec((_T, C), lambda i: (i, 0)),
            pl.BlockSpec((1, 1, _T), lambda i: (i, 0, 0)),
            pl.BlockSpec((1, 256, 1), lambda i: (i, 0, 0)),
        ],
        out_shape=[
            jax.ShapeDtypeStruct((G, 1, _T), jnp.int32),
            jax.ShapeDtypeStruct((N, C), jnp.float32),
            jax.ShapeDtypeStruct((G, 1, _T), jnp.int32),
            jax.ShapeDtypeStruct((G, 256, 1), jnp.int32),
        ],
        scratch_shapes=[pltpu.VMEM((256, 1), jnp.float32)],
        compiler_params=pltpu.CompilerParams(
            dimension_semantics=("arbitrary",)),
    )(xr, conv1_w, conv1_b.reshape(32, 1), conv2_w, conv2_b.reshape(32, 1),
      conv3_w, conv3_b.reshape(16, 1), wa1, ba1, wa2, ba2, wa3, ba3,
      jnp.triu(jnp.ones((_T, _T), jnp.float32)))

    ids = k1_out[0].reshape(N)
    xl = k1_out[1]
    ranks = k1_out[2].reshape(N)
    hist = k1_out[3].reshape(G, 256)

    counts = jnp.sum(hist, axis=0)
    tiles = (counts + _T2 - 1) // _T2
    pstart = (_T2 * (jnp.cumsum(tiles) - tiles)).astype(jnp.int32)
    Mmax = N // _T2 + 256
    tile_e = (jnp.searchsorted(pstart, jnp.arange(Mmax, dtype=jnp.int32) * _T2,
                               side='right') - 1).astype(jnp.int32)
    xg_flat, dst = _sc_dispatch(xl, pstart[ids], ranks, Mmax * _T2)
    xg = xg_flat.reshape(Mmax, _T2, C)

    out3 = pl.pallas_call(
        _k3_body,
        grid_spec=pltpu.PrefetchScalarGridSpec(
            num_scalar_prefetch=1,
            grid=(Mmax,),
            in_specs=[
                pl.BlockSpec((1, _T2, C), lambda i, E: (i, 0, 0)),
                pl.BlockSpec((1, C, 32), lambda i, E: (E[i], 0, 0)),
                pl.BlockSpec((1, 1, 32), lambda i, E: (E[i], 0, 0)),
                pl.BlockSpec((1, 32, 32), lambda i, E: (E[i], 0, 0)),
                pl.BlockSpec((1, 1, 32), lambda i, E: (E[i], 0, 0)),
                pl.BlockSpec((1, 32, 32), lambda i, E: (E[i], 0, 0)),
                pl.BlockSpec((1, 1, 32), lambda i, E: (E[i], 0, 0)),
            ],
            out_specs=pl.BlockSpec((1, 1, _T2), lambda i, E: (i, 0, 0)),
        ),
        out_shape=jax.ShapeDtypeStruct((Mmax, 1, _T2), jnp.int32),
        compiler_params=pltpu.CompilerParams(
            dimension_semantics=("arbitrary",)),
    )(tile_e, xg, cm1_2_w, cm1_2_b.reshape(256, 1, 32), cm2_2_w,
      cm2_2_b.reshape(256, 1, 32), cm3_2_w, cm3_2_b.reshape(256, 1, 32))

    res = out3.reshape(Mmax * _T2)[dst]
    return res.reshape(B, 1, H, W)

# --- scband reference (transcript-rebuilt; emitter-appended) ---
"""Pipeline reference for scband-classification3-stage-13975823582045 (READ-ONLY COPY).

The authoritative reference and input builder live on the scoring server;
editing this copy changes nothing except your own understanding.
"""

import jax, jax.numpy as jnp
import numpy as np

CHUNK = 8192

def _leaky(x):
    return jnp.where(x >= 0, x, 0.01 * x)

def _condmul(x, inds, W, b):
    # y[n] = x[n] @ W[inds[n]] + b[inds[n]]  (hard-routed per-token expert matmul)
    N, Ci = x.shape
    n = N // CHUNK
    xr = x.reshape(n, CHUNK, Ci)
    ir = inds.reshape(n, CHUNK)
    def f(args):
        xc, ic = args
        return jnp.einsum('ni,nio->no', xc, W[ic]) + b[ic]
    out = jax.lax.map(f, (xr, ir))
    return out.reshape(N, -1)

def setup_inputs(seed: int = 0):
    key = jax.random.key(seed)
    ks = jax.random.split(key, 20)
    B, C, H, W = 2, 128, 384, 384
    def p(k, shape, scale=0.05):
        return jax.random.normal(k, shape, jnp.float32) * scale
    d = {}
    d['x_in'] = jax.random.normal(ks[0], (B, C, H, W), jnp.float32)
    d['conv1_w'] = p(ks[1], (32, 128)); d['conv1_b'] = p(ks[2], (32,))
    d['conv2_w'] = p(ks[3], (32, 32)); d['conv2_b'] = p(ks[4], (32,))
    d['conv3_w'] = p(ks[5], (16, 32)); d['conv3_b'] = p(ks[6], (16,))
    d['cm1_1_w'] = p(ks[7], (16, 128, 32)); d['cm1_1_b'] = p(ks[8], (16, 32))
    d['cm2_1_w'] = p(ks[9], (16, 32, 32)); d['cm2_1_b'] = p(ks[10], (16, 32))
    d['cm3_1_w'] = p(ks[11], (16, 32, 32)); d['cm3_1_b'] = p(ks[12], (16, 32))
    d['cm1_2_w'] = p(ks[13], (256, 128, 32)); d['cm1_2_b'] = p(ks[14], (256, 32))
    d['cm2_2_w'] = p(ks[15], (256, 32, 32)); d['cm2_2_b'] = p(ks[16], (256, 32))
    d['cm3_2_w'] = p(ks[17], (256, 32, 32)); d['cm3_2_b'] = p(ks[18], (256, 32))
    return d

def reference(x_in, conv1_w, conv1_b, conv2_w, conv2_b, conv3_w, conv3_b,
              cm1_1_w, cm1_1_b, cm2_1_w, cm2_1_b, cm3_1_w, cm3_1_b,
              cm1_2_w, cm1_2_b, cm2_2_w, cm2_2_b, cm3_2_w, cm3_2_b):
    B, C, H, W = x_in.shape
    classes = (16, 16, 16); pad = (0, 8, 8)
    classes12 = classes[0] * classes[1]
    classes123 = classes12 * classes[2]
    # stage 1: dense 1x1-conv classifier
    x = _leaky(jnp.einsum('bchw,oc->bohw', x_in, conv1_w) + conv1_b[None, :, None, None])
    x = _leaky(jnp.einsum('bchw,oc->bohw', x, conv2_w) + conv2_b[None, :, None, None])
    x = jnp.einsum('bchw,oc->bohw', x, conv3_w) + conv3_b[None, :, None, None]
    inds1 = jnp.argmax(x, axis=1)
    inds1_l = inds1.reshape(-1).astype(jnp.int32)
    x_l = jnp.transpose(x_in, (0, 2, 3, 1)).reshape(-1, C)
    # stage 2: expert MLP routed by inds1
    y = _leaky(_condmul(x_l, inds1_l, cm1_1_w, cm1_1_b))
    y = _leaky(_condmul(y, inds1_l, cm2_1_w, cm2_1_b))
    y = _condmul(y, inds1_l, cm3_1_w, cm3_1_b)
    inds2 = jnp.argmax(y, axis=1).astype(jnp.int32)
    inds12_l = jnp.clip(inds1_l * classes[1] + (inds2 - pad[1]), 0, classes12 - 1).astype(jnp.int32)
    # stage 3: expert MLP routed by inds12
    z = _leaky(_condmul(x_l, inds12_l, cm1_2_w, cm1_2_b))
    z = _leaky(_condmul(z, inds12_l, cm2_2_w, cm2_2_b))
    z = _condmul(z, inds12_l, cm3_2_w, cm3_2_b)
    inds3 = jnp.argmax(z, axis=1).astype(jnp.int32)
    inds123 = jnp.clip(inds12_l * classes[2] + (inds3 - pad[2]), 0, classes123 - 1)
    return inds123.reshape(B, 1, H, W)

if __name__ == "__main__":
    import jax
    _d = setup_inputs()
    print(jax.jit(kernel)(*tuple(_d.values())))

</pallas_src>

<mosaic_0001>
#map = affine_map<(d0, d1) -> (0, 0)>
#map1 = affine_map<(d0, d1) -> (0)>
module attributes {stable_mosaic.version = 14 : i64} {
  func.func @k(%arg0: i32, %arg1: i32, %arg2: memref<294912x128xf32, #tpu.memory_space<hbm>>, %arg3: memref<294912xi32, #tpu.memory_space<hbm>>, %arg4: memref<294912xi32, #tpu.memory_space<hbm>>, %arg5: memref<360448x128xf32, #tpu.memory_space<hbm>>, %arg6: memref<294912xi32, #tpu.memory_space<hbm>>, %arg7: memref<128xi32, #tpu.memory_space<vmem>>, %arg8: memref<128xi32, #tpu.memory_space<vmem>>, %arg9: memref<128xi32, #tpu.memory_space<vmem>>, %arg10: memref<128xi32, #tpu.memory_space<vmem>>, %arg11: memref<128xi32, #tpu.memory_space<vmem>>, %arg12: memref<128xi32, #tpu.memory_space<vmem>>, %arg13: memref<2x128x128xf32, #tpu.memory_space<vmem>>, %arg14: memref<!tpu.dma_semaphore, #tpu.memory_space<semaphore_mem>>, %arg15: memref<!tpu.dma_semaphore, #tpu.memory_space<semaphore_mem>>) attributes {dimension_semantics = [#tpu.dimension_semantics<core_parallel>, #tpu.dimension_semantics<subcore_parallel>], iteration_bounds = array<i64: 2, 16>, scalar_prefetch = 0 : i64, scratch_operands = 9 : i64, tpu.core_type = #tpu.core_type<sc_vector_subcore>, window_params = [{transform_indices = #map}, {transform_indices = #map1}, {transform_indices = #map1}, {transform_indices = #map}, {transform_indices = #map1}]} {
    %mul3A = arith.constant 2 : i32
    %mul3A_0 = arith.muli %arg1, %mul3A : i32
    %add3A = arith.addi %mul3A_0, %arg0 : i32
    %mul3A_1 = arith.constant 9216 : i32
    %mul3A_2 = arith.muli %add3A, %mul3A_1 : i32
    %add3A_3 = arith.constant 0 : i32
    %add3A_4 = arith.addi %mul3A_2, %add3A_3 : i32
    %dma_start3A = tpu.memref_slice %arg3[%add3A_4] : memref<294912xi32, #tpu.memory_space<hbm>> -> memref<128xi32, #tpu.memory_space<hbm>>
    %dma_start3A_5 = tpu.memref_slice %arg3[%add3A_4] : memref<294912xi32, #tpu.memory_space<hbm>> -> memref<128xi32, #tpu.memory_space<hbm>>
    tpu.enqueue_dma source(%dma_start3A_5 : memref<128xi32, #tpu.memory_space<hbm>>) target(%arg7 : memref<128xi32, #tpu.memory_space<vmem>>) target_semaphore(%arg14 : memref<!tpu.dma_semaphore, #tpu.memory_space<semaphore_mem>>)
    %dma_start3A_6 = tpu.memref_slice %arg4[%add3A_4] : memref<294912xi32, #tpu.memory_space<hbm>> -> memref<128xi32, #tpu.memory_space<hbm>>
    %dma_start3A_7 = tpu.memref_slice %arg4[%add3A_4] : memref<294912xi32, #tpu.memory_space<hbm>> -> memref<128xi32, #tpu.memory_space<hbm>>
    tpu.enqueue_dma source(%dma_start3A_7 : memref<128xi32, #tpu.memory_space<hbm>>) target(%arg9 : memref<128xi32, #tpu.memory_space<vmem>>) target_semaphore(%arg14 : memref<!tpu.dma_semaphore, #tpu.memory_space<semaphore_mem>>)
    %dma_start3A_8 = arith.constant 0 : i32
    %dma_start3A_9 = arith.constant 0 : i32
    %dma_start3A_10 = arith.constant 0 : i32
    %dma_start3A_11 = tpu.memref_slice %arg13[%dma_start3A_8, %dma_start3A_9, %dma_start3A_10] : memref<2x128x128xf32, #tpu.memory_space<vmem>> -> memref<1x128x128xf32, #tpu.memory_space<vmem>>
    %dma_start3A_12 = tpu.memref_squeeze %dma_start3A_11 : memref<1x128x128xf32, #tpu.memory_space<vmem>> -> memref<128x128xf32, #tpu.memory_space<vmem>>
    %dma_start3A_13 = arith.constant 0 : i32
    %dma_start3A_14 = tpu.memref_slice %arg2[%add3A_4, %dma_start3A_13] : memref<294912x128xf32, #tpu.memory_space<hbm>> -> memref<128x128xf32, #tpu.memory_space<hbm>>
    %dma_start3A_15 = arith.constant 0 : i32
    %dma_start3A_16 = arith.constant 0 : i32
    %dma_start3A_17 = tpu.memref_slice %arg13[%dma_start3A_8, %dma_start3A_15, %dma_start3A_16] : memref<2x128x128xf32, #tpu.memory_space<vmem>> -> memref<1x128x128xf32, #tpu.memory_space<vmem>>
    %dma_start3A_18 = tpu.memref_squeeze %dma_start3A_17 : memref<1x128x128xf32, #tpu.memory_space<vmem>> -> memref<128x128xf32, #tpu.memory_space<vmem>>
    %dma_start3A_19 = arith.constant 0 : i32
    %dma_start3A_20 = tpu.memref_slice %arg2[%add3A_4, %dma_start3A_19] : memref<294912x128xf32, #tpu.memory_space<hbm>> -> memref<128x128xf32, #tpu.memory_space<hbm>>
    tpu.enqueue_dma source(%dma_start3A_20 : memref<128x128xf32, #tpu.memory_space<hbm>>) target(%dma_start3A_18 : memref<128x128xf32, #tpu.memory_space<vmem>>) target_semaphore(%arg14 : memref<!tpu.dma_semaphore, #tpu.memory_space<semaphore_mem>>)
    %scan3A = arith.constant 0 : i32
    %scan3A_21 = arith.constant 36 : i32
    %scan3A_22 = arith.addi %scan3A, %scan3A_21 : i32
    %scan3A_23 = arith.constant 1 : i32
    scf.for %scan3A_25 = %scan3A to %scan3A_22 step %scan3A_23  : i32 {
      %mul3A_26 = arith.constant 2 : i32
      %mul3A_27 = arith.muli %scan3A_25, %mul3A_26 : i32
      %add3A_28 = arith.constant 0 : i32
      %add3A_29 = arith.addi %add3A_28, %mul3A_27 : i32
      %add3A_30 = arith.constant 0 : i32
      %add3A_31 = arith.addi %add3A_29, %add3A_30 : i32
      %mul3A_32 = arith.constant 128 : i32
      %mul3A_33 = arith.muli %add3A_31, %mul3A_32 : i32
      %add3A_34 = arith.addi %mul3A_2, %mul3A_33 : i32
      %dma_wait3A = tpu.memref_slice %arg3[%add3A_34] : memref<294912xi32, #tpu.memory_space<hbm>> -> memref<128xi32, #tpu.memory_space<hbm>>
      %dma_wait3A_35 = tpu.memref_slice %arg3[%add3A_34] : memref<294912xi32, #tpu.memory_space<hbm>> -> memref<128xi32, #tpu.memory_space<hbm>>
      tpu.wait_dma2 semaphore(%arg14 : memref<!tpu.dma_semaphore, #tpu.memory_space<semaphore_mem>>) src(%dma_wait3A_35 : memref<128xi32, #tpu.memory_space<hbm>>) dst(%arg7 : memref<128xi32, #tpu.memory_space<vmem>>)
      %dma_wait3A_36 = tpu.memref_slice %arg4[%add3A_34] : memref<294912xi32, #tpu.memory_space<hbm>> -> memref<128xi32, #tpu.memory_space<hbm>>
      %dma_wait3A_37 = tpu.memref_slice %arg4[%add3A_34] : memref<294912xi32, #tpu.memory_space<hbm>> -> memref<128xi32, #tpu.memory_space<hbm>>
      tpu.wait_dma2 semaphore(%arg14 : memref<!tpu.dma_semaphore, #tpu.memory_space<semaphore_mem>>) src(%dma_wait3A_37 : memref<128xi32, #tpu.memory_space<hbm>>) dst(%arg9 : memref<128xi32, #tpu.memory_space<vmem>>)
      %dma_wait3A_38 = arith.constant 0 : i32
      %dma_wait3A_39 = arith.constant 0 : i32
      %dma_wait3A_40 = arith.constant 0 : i32
      %dma_wait3A_41 = tpu.memref_slice %arg13[%dma_wait3A_38, %dma_wait3A_39, %dma_wait3A_40] : memref<2x128x128xf32, #tpu.memory_space<vmem>> -> memref<1x128x128xf32, #tpu.memory_space<vmem>>
      %dma_wait3A_42 = tpu.memref_squeeze %dma_wait3A_41 : memref<1x128x128xf32, #tpu.memory_space<vmem>> -> memref<128x128xf32, #tpu.memory_space<vmem>>
      %dma_wait3A_43 = arith.constant 0 : i32
      %dma_wait3A_44 = tpu.memref_slice %arg2[%add3A_34, %dma_wait3A_43] : memref<294912x128xf32, #tpu.memory_space<hbm>> -> memref<128x128xf32, #tpu.memory_space<hbm>>
      %dma_wait3A_45 = arith.constant 0 : i32
      %dma_wait3A_46 = arith.constant 0 : i32
      %dma_wait3A_47 = tpu.memref_slice %arg13[%dma_wait3A_38, %dma_wait3A_45, %dma_wait3A_46] : memref<2x128x128xf32, #tpu.memory_space<vmem>> -> memref<1x128x128xf32, #tpu.memory_space<vmem>>
      %dma_wait3A_48 = tpu.memref_squeeze %dma_wait3A_47 : memref<1x128x128xf32, #tpu.memory_space<vmem>> -> memref<128x128xf32, #tpu.memory_space<vmem>>
      %dma_wait3A_49 = arith.constant 0 : i32
      %dma_wait3A_50 = tpu.memref_slice %arg2[%add3A_34, %dma_wait3A_49] : memref<294912x128xf32, #tpu.memory_space<hbm>> -> memref<128x128xf32, #tpu.memory_space<hbm>>
      tpu.wait_dma2 semaphore(%arg14 : memref<!tpu.dma_semaphore, #tpu.memory_space<semaphore_mem>>) src(%dma_wait3A_50 : memref<128x128xf32, #tpu.memory_space<hbm>>) dst(%dma_wait3A_48 : memref<128x128xf32, #tpu.memory_space<vmem>>)
      %add3A_51 = arith.constant 1 : i32
      %add3A_52 = arith.addi %add3A_31, %add3A_51 : i32
      %lt3A = arith.constant 72 : i32
      %lt3A_53 = arith.cmpi slt, %add3A_52, %lt3A : i32
      %convert_element_type3A = arith.extui %lt3A_53 : i1 to i32
      %cond3A = arith.constant 0 : i32
      %cond3A_54 = arith.cmpi ne, %convert_element_type3A, %cond3A : i32
      scf.if %cond3A_54 {
        %add3A_298 = arith.constant 1 : i32
        %add3A_299 = arith.addi %add3A_31, %add3A_298 : i32
        %mul3A_300 = arith.constant 128 : i32
        %mul3A_301 = arith.muli %add3A_299, %mul3A_300 : i32
        %add3A_302 = arith.addi %mul3A_2, %mul3A_301 : i32
        %dma_start3A_303 = tpu.memref_slice %arg3[%add3A_302] : memref<294912xi32, #tpu.memory_space<hbm>> -> memref<128xi32, #tpu.memory_space<hbm>>
        %dma_start3A_304 = tpu.memref_slice %arg3[%add3A_302] : memref<294912xi32, #tpu.memory_space<hbm>> -> memref<128xi32, #tpu.memory_space<hbm>>
        tpu.enqueue_dma source(%dma_start3A_304 : memref<128xi32, #tpu.memory_space<hbm>>) target(%arg8 : memref<128xi32, #tpu.memory_space<vmem>>) target_semaphore(%arg14 : memref<!tpu.dma_semaphore, #tpu.memory_space<semaphore_mem>>)
        %dma_start3A_305 = tpu.memref_slice %arg4[%add3A_302] : memref<294912xi32, #tpu.memory_space<hbm>> -> memref<128xi32, #tpu.memory_space<hbm>>
        %dma_start3A_306 = tpu.memref_slice %arg4[%add3A_302] : memref<294912xi32, #tpu.memory_space<hbm>> -> memref<128xi32, #tpu.memory_space<hbm>>
        tpu.enqueue_dma source(%dma_start3A_306 : memref<128xi32, #tpu.memory_space<hbm>>) target(%arg10 : memref<128xi32, #tpu.memory_space<vmem>>) target_semaphore(%arg14 : memref<!tpu.dma_semaphore, #tpu.memory_space<semaphore_mem>>)
        %dma_start3A_307 = arith.constant 1 : i32
        %dma_start3A_308 = arith.constant 0 : i32
        %dma_start3A_309 = arith.constant 0 : i32
        %dma_start3A_310 = tpu.memref_slice %arg13[%dma_start3A_307, %dma_start3A_308, %dma_start3A_309] : memref<2x128x128xf32, #tpu.memory_space<vmem>> -> memref<1x128x128xf32, #tpu.memory_space<vmem>>
        %dma_start3A_311 = tpu.memref_squeeze %dma_start3A_310 : memref<1x128x128xf32, #tpu.memory_space<vmem>> -> memref<128x128xf32, #tpu.memory_space<vmem>>
        %dma_start3A_312 = arith.constant 0 : i32
        %dma_start3A_313 = tpu.memref_slice %arg2[%add3A_302, %dma_start3A_312] : memref<294912x128xf32, #tpu.memory_space<hbm>> -> memref<128x128xf32, #tpu.memory_space<hbm>>
        %dma_start3A_314 = arith.constant 0 : i32
        %dma_start3A_315 = arith.constant 0 : i32
        %dma_start3A_316 = tpu.memref_slice %arg13[%dma_start3A_307, %dma_start3A_314, %dma_start3A_315] : memref<2x128x128xf32, #tpu.memory_space<vmem>> -> memref<1x128x128xf32, #tpu.memory_space<vmem>>
        %dma_start3A_317 = tpu.memref_squeeze %dma_start3A_316 : memref<1x128x128xf32, #tpu.memory_space<vmem>> -> memref<128x128xf32, #tpu.memory_space<vmem>>
        %dma_start3A_318 = arith.constant 0 : i32
        %dma_start3A_319 = tpu.memref_slice %arg2[%add3A_302, %dma_start3A_318] : memref<294912x128xf32, #tpu.memory_space<hbm>> -> memref<128x128xf32, #tpu.memory_space<hbm>>
        tpu.enqueue_dma source(%dma_start3A_319 : memref<128x128xf32, #tpu.memory_space<hbm>>) target(%dma_start3A_317 : memref<128x128xf32, #tpu.memory_space<vmem>>) target_semaphore(%arg14 : memref<!tpu.dma_semaphore, #tpu.memory_space<semaphore_mem>>)
      } else {
      }
      %get3A = arith.constant 0 : index
      %get3A_55 = tpu.vector_load %arg7[%get3A] {strides = array<i32>} : memref<128xi32, #tpu.memory_space<vmem>>, vector<16xi32>,
      %get3A_56 = vector.shape_cast %get3A_55 : vector<16xi32> to vector<16xi32>
      %get3A_57 = arith.constant 0 : index
      %get3A_58 = tpu.vector_load %arg9[%get3A_57] {strides = array<i32>} : memref<128xi32, #tpu.memory_space<vmem>>, vector<16xi32>,
      %get3A_59 = vector.shape_cast %get3A_58 : vector<16xi32> to vector<16xi32>
      %add3A_60 = arith.addi %get3A_56, %get3A_59 : vector<16xi32>
      %swap3A = arith.constant 0 : index
      %swap3A_61 = tpu.vector_load %arg11[%swap3A] {strides = array<i32>} : memref<128xi32, #tpu.memory_space<vmem>>, vector<16xi32>,
      %swap3A_62 = vector.shape_cast %swap3A_61 : vector<16xi32> to vector<16xi32>
      %swap3A_63 = vector.shape_cast %add3A_60 : vector<16xi32> to vector<16xi32>
      tpu.vector_store %arg11[%swap3A], %swap3A_63 {strides = array<i32>} : memref<128xi32, #tpu.memory_space<vmem>>, vector<16xi32>,
      %get3A_64 = arith.constant 16 : index
      %get3A_65 = tpu.vector_load %arg7[%get3A_64] {strides = array<i32>} : memref<128xi32, #tpu.memory_space<vmem>>, vector<16xi32>,
      %get3A_66 = vector.shape_cast %get3A_65 : vector<16xi32> to vector<16xi32>
      %get3A_67 = arith.constant 16 : index
      %get3A_68 = tpu.vector_load %arg9[%get3A_67] {strides = array<i32>} : memref<128xi32, #tpu.memory_space<vmem>>, vector<16xi32>,
      %get3A_69 = vector.shape_cast %get3A_68 : vector<16xi32> to vector<16xi32>
      %add3A_70 = arith.addi %get3A_66, %get3A_69 : vector<16xi32>
      %swap3A_71 = arith.constant 16 : index
      %swap3A_72 = tpu.vector_load %arg11[%swap3A_71] {strides = array<i32>} : memref<128xi32, #tpu.memory_space<vmem>>, vector<16xi32>,
      %swap3A_73 = vector.shape_cast %swap3A_72 : vector<16xi32> to vector<16xi32>
      %swap3A_74 = vector.shape_cast %add3A_70 : vector<16xi32> to vector<16xi32>
      tpu.vector_store %arg11[%swap3A_71], %swap3A_74 {strides = array<i32>} : memref<128xi32, #tpu.memory_space<vmem>>, vector<16xi32>,
      %get3A_75 = arith.constant 32 : index
      %get3A_76 = tpu.vector_load %arg7[%get3A_75] {strides = array<i32>} : memref<128xi32, #tpu.memory_space<vmem>>, vector<16xi32>,
      %get3A_77 = vector.shape_cast %get3A_76 : vector<16xi32> to vector<16xi32>
      %get3A_78 = arith.constant 32 : index
      %get3A_79 = tpu.vector_load %arg9[%get3A_78] {strides = array<i32>} : memref<128xi32, #tpu.memory_space<vmem>>, vector<16xi32>,
      %get3A_80 = vector.shape_cast %get3A_79 : vector<16xi32> to vector<16xi32>
      %add3A_81 = arith.addi %get3A_77, %get3A_80 : vector<16xi32>
      %swap3A_82 = arith.constant 32 : index
      %swap3A_83 = tpu.vector_load %arg11[%swap3A_82] {strides = array<i32>} : memref<128xi32, #tpu.memory_space<vmem>>, vector<16xi32>,
      %swap3A_84 = vector.shape_cast %swap3A_83 : vector<16xi32> to vector<16xi32>
      %swap3A_85 = vector.shape_cast %add3A_81 : vector<16xi32> to vector<16xi32>
      tpu.vector_store %arg11[%swap3A_82], %swap3A_85 {strides = array<i32>} : memref<128xi32, #tpu.memory_space<vmem>>, vector<16xi32>,
      %get3A_86 = arith.constant 48 : index
      %get3A_87 = tpu.vector_load %arg7[%get3A_86] {strides = array<i32>} : memref<128xi32, #tpu.memory_space<vmem>>, vector<16xi32>,
      %get3A_88 = vector.shape_cast %get3A_87 : vector<16xi32> to vector<16xi32>
      %get3A_89 = arith.constant 48 : index
      %get3A_90 = tpu.vector_load %arg9[%get3A_89] {strides = array<i32>} : memref<128xi32, #tpu.memory_space<vmem>>, vector<16xi32>,
      %get3A_91 = vector.shape_cast %get3A_90 : vector<16xi32> to vector<16xi32>
      %add3A_92 = arith.addi %get3A_88, %get3A_91 : vector<16xi32>
      %swap3A_93 = arith.constant 48 : index
      %swap3A_94 = tpu.vector_load %arg11[%swap3A_93] {strides = array<i32>} : memref<128xi32, #tpu.memory_space<vmem>>, vector<16xi32>,
      %swap3A_95 = vector.shape_cast %swap3A_94 : vector<16xi32> to vector<16xi32>
      %swap3A_96 = vector.shape_cast %add3A_92 : vector<16xi32> to vector<16xi32>
      tpu.vector_store %arg11[%swap3A_93], %swap3A_96 {strides = array<i32>} : memref<128xi32, #tpu.memory_space<vmem>>, vector<16xi32>,
      %get3A_97 = arith.constant 64 : index
      %get3A_98 = tpu.vector_load %arg7[%get3A_97] {strides = array<i32>} : memref<128xi32, #tpu.memory_space<vmem>>, vector<16xi32>,
      %get3A_99 = vector.shape_cast %get3A_98 : vector<16xi32> to vector<16xi32>
      %get3A_100 = arith.constant 64 : index
      %get3A_101 = tpu.vector_load %arg9[%get3A_100] {strides = array<i32>} : memref<128xi32, #tpu.memory_space<vmem>>, vector<16xi32>,
      %get3A_102 = vector.shape_cast %get3A_101 : vector<16xi32> to vector<16xi32>
      %add3A_103 = arith.addi %get3A_99, %get3A_102 : vector<16xi32>
      %swap3A_104 = arith.constant 64 : index
      %swap3A_105 = tpu.vector_load %arg11[%swap3A_104] {strides = array<i32>} : memref<128xi32, #tpu.memory_space<vmem>>, vector<16xi32>,
      %swap3A_106 = vector.shape_cast %swap3A_105 : vector<16xi32> to vector<16xi32>
      %swap3A_107 = vector.shape_cast %add3A_103 : vector<16xi32> to vector<16xi32>
      tpu.vector_store %arg11[%swap3A_104], %swap3A_107 {strides = array<i32>} : memref<128xi32, #tpu.memory_space<vmem>>, vector<16xi32>,
      %get3A_108 = arith.constant 80 : index
      %get3A_109 = tpu.vector_load %arg7[%get3A_108] {strides = array<i32>} : memref<128xi32, #tpu.memory_space<vmem>>, vector<16xi32>,
      %get3A_110 = vector.shape_cast %get3A_109 : vector<16xi32> to vector<16xi32>
      %get3A_111 = arith.constant 80 : index
      %get3A_112 = tpu.vector_load %arg9[%get3A_111] {strides = array<i32>} : memref<128xi32, #tpu.memory_space<vmem>>, vector<16xi32>,
      %get3A_113 = vector.shape_cast %get3A_112 : vector<16xi32> to vector<16xi32>
      %add3A_114 = arith.addi %get3A_110, %get3A_113 : vector<16xi32>
      %swap3A_115 = arith.constant 80 : index
      %swap3A_116 = tpu.vector_load %arg11[%swap3A_115] {strides = array<i32>} : memref<128xi32, #tpu.memory_space<vmem>>, vector<16xi32>,
      %swap3A_117 = vector.shape_cast %swap3A_116 : vector<16xi32> to vector<16xi32>
      %swap3A_118 = vector.shape_cast %add3A_114 : vector<16xi32> to vector<16xi32>
      tpu.vector_store %arg11[%swap3A_115], %swap3A_118 {strides = array<i32>} : memref<128xi32, #tpu.memory_space<vmem>>, vector<16xi32>,
      %get3A_119 = arith.constant 96 : index
      %get3A_120 = tpu.vector_load %arg7[%get3A_119] {strides = array<i32>} : memref<128xi32, #tpu.memory_space<vmem>>, vector<16xi32>,
      %get3A_121 = vector.shape_cast %get3A_120 : vector<16xi32> to vector<16xi32>
      %get3A_122 = arith.constant 96 : index
      %get3A_123 = tpu.vector_load %arg9[%get3A_122] {strides = array<i32>} : memref<128xi32, #tpu.memory_space<vmem>>, vector<16xi32>,
      %get3A_124 = vector.shape_cast %get3A_123 : vector<16xi32> to vector<16xi32>
      %add3A_125 = arith.addi %get3A_121, %get3A_124 : vector<16xi32>
      %swap3A_126 = arith.constant 96 : index
      %swap3A_127 = tpu.vector_load %arg11[%swap3A_126] {strides = array<i32>} : memref<128xi32, #tpu.memory_space<vmem>>, vector<16xi32>,
      %swap3A_128 = vector.shape_cast %swap3A_127 : vector<16xi32> to vector<16xi32>
      %swap3A_129 = vector.shape_cast %add3A_125 : vector<16xi32> to vector<16xi32>
      tpu.vector_store %arg11[%swap3A_126], %swap3A_129 {strides = array<i32>} : memref<128xi32, #tpu.memory_space<vmem>>, vector<16xi32>,
      %get3A_130 = arith.constant 112 : index
      %get3A_131 = tpu.vector_load %arg7[%get3A_130] {strides = array<i32>} : memref<128xi32, #tpu.memory_space<vmem>>, vector<16xi32>,
      %get3A_132 = vector.shape_cast %get3A_131 : vector<16xi32> to vector<16xi32>
      %get3A_133 = arith.constant 112 : index
      %get3A_134 = tpu.vector_load %arg9[%get3A_133] {strides = array<i32>} : memref<128xi32, #tpu.memory_space<vmem>>, vector<16xi32>,
      %get3A_135 = vector.shape_cast %get3A_134 : vector<16xi32> to vector<16xi32>
      %add3A_136 = arith.addi %get3A_132, %get3A_135 : vector<16xi32>
      %swap3A_137 = arith.constant 112 : index
      %swap3A_138 = tpu.vector_load %arg11[%swap3A_137] {strides = array<i32>} : memref<128xi32, #tpu.memory_space<vmem>>, vector<16xi32>,
      %swap3A_139 = vector.shape_cast %swap3A_138 : vector<16xi32> to vector<16xi32>
      %swap3A_140 = vector.shape_cast %add3A_136 : vector<16xi32> to vector<16xi32>
      tpu.vector_store %arg11[%swap3A_137], %swap3A_140 {strides = array<i32>} : memref<128xi32, #tpu.memory_space<vmem>>, vector<16xi32>,
      %dma_start3A_141 = tpu.memref_slice %arg6[%add3A_34] : memref<294912xi32, #tpu.memory_space<hbm>> -> memref<128xi32, #tpu.memory_space<hbm>>
      %dma_start3A_142 = tpu.memref_slice %arg6[%add3A_34] : memref<294912xi32, #tpu.memory_space<hbm>> -> memref<128xi32, #tpu.memory_space<hbm>>
      tpu.enqueue_dma source(%arg11 : memref<128xi32, #tpu.memory_space<vmem>>) target(%dma_start3A_142 : memref<128xi32, #tpu.memory_space<hbm>>) target_semaphore(%arg15 : memref<!tpu.dma_semaphore, #tpu.memory_space<semaphore_mem>>)
      %dma_start3A_143 = arith.constant 0 : i32
      %dma_start3A_144 = arith.constant 0 : i32
      %dma_start3A_145 = arith.constant 0 : i32
      %dma_start3A_146 = tpu.memref_slice %arg13[%dma_start3A_143, %dma_start3A_144, %dma_start3A_145] : memref<2x128x128xf32, #tpu.memory_space<vmem>> -> memref<1x128x128xf32, #tpu.memory_space<vmem>>
      %dma_start3A_147 = tpu.memref_squeeze %dma_start3A_146 : memref<1x128x128xf32, #tpu.memory_space<vmem>> -> memref<128x128xf32, #tpu.memory_space<vmem>>
      %dma_start3A_148 = arith.constant 0 : i32
      %dma_start3A_149 = arith.constant 0 : i32
      %dma_start3A_150 = tpu.memref_slice %arg5[%dma_start3A_148, %dma_start3A_149] : memref<360448x128xf32, #tpu.memory_space<hbm>> -> memref<360448x128xf32, #tpu.memory_space<hbm>>
      tpu.enqueue_indirect_dma source(%dma_start3A_147 : memref<128x128xf32, #tpu.memory_space<vmem>>) target(%dma_start3A_150 : memref<360448x128xf32, #tpu.memory_space<hbm>>) offsets(%arg11 : memref<128xi32, #tpu.memory_space<vmem>>) semaphore(%arg15 : memref<!tpu.dma_semaphore, #tpu.memory_space<semaphore_mem>>)
      %dma_wait3A_151 = tpu.memref_slice %arg6[%add3A_34] : memref<294912xi32, #tpu.memory_space<hbm>> -> memref<128xi32, #tpu.memory_space<hbm>>
      %dma_wait3A_152 = tpu.memref_slice %arg6[%add3A_34] : memref<294912xi32, #tpu.memory_space<hbm>> -> memref<128xi32, #tpu.memory_space<hbm>>
      tpu.wait_dma2 semaphore(%arg15 : memref<!tpu.dma_semaphore, #tpu.memory_space<semaphore_mem>>) src(%arg11 : memref<128xi32, #tpu.memory_space<vmem>>) dst(%dma_wait3A_152 : memref<128xi32, #tpu.memory_space<hbm>>)
      %dma_wait3A_153 = arith.constant 0 : i32
      %dma_wait3A_154 = arith.constant 0 : i32
      %dma_wait3A_155 = arith.constant 0 : i32
      %dma_wait3A_156 = tpu.memref_slice %arg13[%dma_wait3A_153, %dma_wait3A_154, %dma_wait3A_155] : memref<2x128x128xf32, #tpu.memory_space<vmem>> -> memref<1x128x128xf32, #tpu.memory_space<vmem>>
      %dma_wait3A_157 = tpu.memref_squeeze %dma_wait3A_156 : memref<1x128x128xf32, #tpu.memory_space<vmem>> -> memref<128x128xf32, #tpu.memory_space<vmem>>
      %dma_wait3A_158 = arith.constant 0 : i32
      %dma_wait3A_159 = arith.constant 0 : i32
      %dma_wait3A_160 = tpu.memref_slice %arg5[%dma_wait3A_158, %dma_wait3A_159] : memref<360448x128xf32, #tpu.memory_space<hbm>> -> memref<360448x128xf32, #tpu.memory_space<hbm>>
      tpu.wait_indirect_dma semaphore(%arg15 : memref<!tpu.dma_semaphore, #tpu.memory_space<semaphore_mem>>) src(%dma_wait3A_157 : memref<128x128xf32, #tpu.memory_space<vmem>>) dst(%dma_wait3A_160 : memref<360448x128xf32, #tpu.memory_space<hbm>>)
      %add3A_161 = arith.constant 1 : i32
      %add3A_162 = arith.addi %add3A_29, %add3A_161 : i32
      %mul3A_163 = arith.constant 128 : i32
      %mul3A_164 = arith.muli %add3A_162, %mul3A_163 : i32
      %add3A_165 = arith.addi %mul3A_2, %mul3A_164 : i32
      %dma_wait3A_166 = tpu.memref_slice %arg3[%add3A_165] : memref<294912xi32, #tpu.memory_space<hbm>> -> memref<128xi32, #tpu.memory_space<hbm>>
      %dma_wait3A_167 = tpu.memref_slice %arg3[%add3A_165] : memref<294912xi32, #tpu.memory_space<hbm>> -> memref<128xi32, #tpu.memory_space<hbm>>
      tpu.wait_dma2 semaphore(%arg14 : memref<!tpu.dma_semaphore, #tpu.memory_space<semaphore_mem>>) src(%dma_wait3A_167 : memref<128xi32, #tpu.memory_space<hbm>>) dst(%arg8 : memref<128xi32, #tpu.memory_space<vmem>>)
      %dma_wait3A_168 = tpu.memref_slice %arg4[%add3A_165] : memref<294912xi32, #tpu.memory_space<hbm>> -> memref<128xi32, #tpu.memory_space<hbm>>
      %dma_wait3A_169 = tpu.memref_slice %arg4[%add3A_165] : memref<294912xi32, #tpu.memory_space<hbm>> -> memref<128xi32, #tpu.memory_space<hbm>>
      tpu.wait_dma2 semaphore(%arg14 : memref<!tpu.dma_semaphore, #tpu.memory_space<semaphore_mem>>) src(%dma_wait3A_169 : memref<128xi32, #tpu.memory_space<hbm>>) dst(%arg10 : memref<128xi32, #tpu.memory_space<vmem>>)
      %dma_wait3A_170 = arith.constant 1 : i32
      %dma_wait3A_171 = arith.constant 0 : i32
      %dma_wait3A_172 = arith.constant 0 : i32
      %dma_wait3A_173 = tpu.memref_slice %arg13[%dma_wait3A_170, %dma_wait3A_171, %dma_wait3A_172] : memref<2x128x128xf32, #tpu.memory_space<vmem>> -> memref<1x128x128xf32, #tpu.memory_space<vmem>>
      %dma_wait3A_174 = tpu.memref_squeeze %dma_wait3A_173 : memref<1x128x128xf32, #tpu.memory_space<vmem>> -> memref<128x128xf32, #tpu.memory_space<vmem>>
      %dma_wait3A_175 = arith.constant 0 : i32
      %dma_wait3A_176 = tpu.memref_slice %arg2[%add3A_165, %dma_wait3A_175] : memref<294912x128xf32, #tpu.memory_space<hbm>> -> memref<128x128xf32, #tpu.memory_space<hbm>>
      %dma_wait3A_177 = arith.constant 0 : i32
      %dma_wait3A_178 = arith.constant 0 : i32
      %dma_wait3A_179 = tpu.memref_slice %arg13[%dma_wait3A_170, %dma_wait3A_177, %dma_wait3A_178] : memref<2x128x128xf32, #tpu.memory_space<vmem>> -> memref<1x128x128xf32, #tpu.memory_space<vmem>>
      %dma_wait3A_180 = tpu.memref_squeeze %dma_wait3A_179 : memref<1x128x128xf32, #tpu.memory_space<vmem>> -> memref<128x128xf32, #tpu.memory_space<vmem>>
      %dma_wait3A_181 = arith.constant 0 : i32
      %dma_wait3A_182 = tpu.memref_slice %arg2[%add3A_165, %dma_wait3A_181] : memref<294912x128xf32, #tpu.memory_space<hbm>> -> memref<128x128xf32, #tpu.memory_space<hbm>>
      tpu.wait_dma2 semaphore(%arg14 : memref<!tpu.dma_semaphore, #tpu.memory_space<semaphore_mem>>) src(%dma_wait3A_182 : memref<128x128xf32, #tpu.memory_space<hbm>>) dst(%dma_wait3A_180 : memref<128x128xf32, #tpu.memory_space<vmem>>)
      %add3A_183 = arith.constant 1 : i32
      %add3A_184 = arith.addi %add3A_162, %add3A_183 : i32
      %lt3A_185 = arith.constant 72 : i32
      %lt3A_186 = arith.cmpi slt, %add3A_184, %lt3A_185 : i32
      %convert_element_type3A_187 = arith.extui %lt3A_186 : i1 to i32
      %cond3A_188 = arith.constant 0 : i32
      %cond3A_189 = arith.cmpi ne, %convert_element_type3A_187, %cond3A_188 : i32
      scf.if %cond3A_189 {
        %add3A_298 = arith.constant 1 : i32
        %add3A_299 = arith.addi %add3A_162, %add3A_298 : i32
        %mul3A_300 = arith.constant 128 : i32
        %mul3A_301 = arith.muli %add3A_299, %mul3A_300 : i32
        %add3A_302 = arith.addi %mul3A_2, %mul3A_301 : i32
        %dma_start3A_303 = tpu.memref_slice %arg3[%add3A_302] : memref<294912xi32, #tpu.memory_space<hbm>> -> memref<128xi32, #tpu.memory_space<hbm>>
        %dma_start3A_304 = tpu.memref_slice %arg3[%add3A_302] : memref<294912xi32, #tpu.memory_space<hbm>> -> memref<128xi32, #tpu.memory_space<hbm>>
        tpu.enqueue_dma source(%dma_start3A_304 : memref<128xi32, #tpu.memory_space<hbm>>) target(%arg7 : memref<128xi32, #tpu.memory_space<vmem>>) target_semaphore(%arg14 : memref<!tpu.dma_semaphore, #tpu.memory_space<semaphore_mem>>)
        %dma_start3A_305 = tpu.memref_slice %arg4[%add3A_302] : memref<294912xi32, #tpu.memory_space<hbm>> -> memref<128xi32, #tpu.memory_space<hbm>>
        %dma_start3A_306 = tpu.memref_slice %arg4[%add3A_302] : memref<294912xi32, #tpu.memory_space<hbm>> -> memref<128xi32, #tpu.memory_space<hbm>>
        tpu.enqueue_dma source(%dma_start3A_306 : memref<128xi32, #tpu.memory_space<hbm>>) target(%arg9 : memref<128xi32, #tpu.memory_space<vmem>>) target_semaphore(%arg14 : memref<!tpu.dma_semaphore, #tpu.memory_space<semaphore_mem>>)
        %dma_start3A_307 = arith.constant 0 : i32
        %dma_start3A_308 = arith.constant 0 : i32
        %dma_start3A_309 = arith.constant 0 : i32
        %dma_start3A_310 = tpu.memref_slice %arg13[%dma_start3A_307, %dma_start3A_308, %dma_start3A_309] : memref<2x128x128xf32, #tpu.memory_space<vmem>> -> memref<1x128x128xf32, #tpu.memory_space<vmem>>
        %dma_start3A_311 = tpu.memref_squeeze %dma_start3A_310 : memref<1x128x128xf32, #tpu.memory_space<vmem>> -> memref<128x128xf32, #tpu.memory_space<vmem>>
        %dma_start3A_312 = arith.constant 0 : i32
        %dma_start3A_313 = tpu.memref_slice %arg2[%add3A_302, %dma_start3A_312] : memref<294912x128xf32, #tpu.memory_space<hbm>> -> memref<128x128xf32, #tpu.memory_space<hbm>>
        %dma_start3A_314 = arith.constant 0 : i32
        %dma_start3A_315 = arith.constant 0 : i32
        %dma_start3A_316 = tpu.memref_slice %arg13[%dma_start3A_307, %dma_start3A_314, %dma_start3A_315] : memref<2x128x128xf32, #tpu.memory_space<vmem>> -> memref<1x128x128xf32, #tpu.memory_space<vmem>>
        %dma_start3A_317 = tpu.memref_squeeze %dma_start3A_316 : memref<1x128x128xf32, #tpu.memory_space<vmem>> -> memref<128x128xf32, #tpu.memory_space<vmem>>
        %dma_start3A_318 = arith.constant 0 : i32
        %dma_start3A_319 = tpu.memref_slice %arg2[%add3A_302, %dma_start3A_318] : memref<294912x128xf32, #tpu.memory_space<hbm>> -> memref<128x128xf32, #tpu.memory_space<hbm>>
        tpu.enqueue_dma source(%dma_start3A_319 : memref<128x128xf32, #tpu.memory_space<hbm>>) target(%dma_start3A_317 : memref<128x128xf32, #tpu.memory_space<vmem>>) target_semaphore(%arg14 : memref<!tpu.dma_semaphore, #tpu.memory_space<semaphore_mem>>)
      } else {
      }
      %get3A_190 = arith.constant 0 : index
      %get3A_191 = tpu.vector_load %arg8[%get3A_190] {strides = array<i32>} : memref<128xi32, #tpu.memory_space<vmem>>, vector<16xi32>,
      %get3A_192 = vector.shape_cast %get3A_191 : vector<16xi32> to vector<16xi32>
      %get3A_193 = arith.constant 0 : index
      %get3A_194 = tpu.vector_load %arg10[%get3A_193] {strides = array<i32>} : memref<128xi32, #tpu.memory_space<vmem>>, vector<16xi32>,
      %get3A_195 = vector.shape_cast %get3A_194 : vector<16xi32> to vector<16xi32>
      %add3A_196 = arith.addi %get3A_192, %get3A_195 : vector<16xi32>
      %swap3A_197 = arith.constant 0 : index
      %swap3A_198 = tpu.vector_load %arg12[%swap3A_197] {strides = array<i32>} : memref<128xi32, #tpu.memory_space<vmem>>, vector<16xi32>,
      %swap3A_199 = vector.shape_cast %swap3A_198 : vector<16xi32> to vector<16xi32>
      %swap3A_200 = vector.shape_cast %add3A_196 : vector<16xi32> to vector<16xi32>
      tpu.vector_store %arg12[%swap3A_197], %swap3A_200 {strides = array<i32>} : memref<128xi32, #tpu.memory_space<vmem>>, vector<16xi32>,
      %get3A_201 = arith.constant 16 : index
      %get3A_202 = tpu.vector_load %arg8[%get3A_201] {strides = array<i32>} : memref<128xi32, #tpu.memory_space<vmem>>, vector<16xi32>,
      %get3A_203 = vector.shape_cast %get3A_202 : vector<16xi32> to vector<16xi32>
      %get3A_204 = arith.constant 16 : index
      %get3A_205 = tpu.vector_load %arg10[%get3A_204] {strides = array<i32>} : memref<128xi32, #tpu.memory_space<vmem>>, vector<16xi32>,
      %get3A_206 = vector.shape_cast %get3A_205 : vector<16xi32> to vector<16xi32>
      %add3A_207 = arith.addi %get3A_203, %get3A_206 : vector<16xi32>
      %swap3A_208 = arith.constant 16 : index
      %swap3A_209 = tpu.vector_load %arg12[%swap3A_208] {strides = array<i32>} : memref<128xi32, #tpu.memory_space<vmem>>, vector<16xi32>,
      %swap3A_210 = vector.shape_cast %swap3A_209 : vector<16xi32> to vector<16xi32>
      %swap3A_211 = vector.shape_cast %add3A_207 : vector<16xi32> to vector<16xi32>
      tpu.vector_store %arg12[%swap3A_208], %swap3A_211 {strides = array<i32>} : memref<128xi32, #tpu.memory_space<vmem>>, vector<16xi32>,
      %get3A_212 = arith.constant 32 : index
      %get3A_213 = tpu.vector_load %arg8[%get3A_212] {strides = array<i32>} : memref<128xi32, #tpu.memory_space<vmem>>, vector<16xi32>,
      %get3A_214 = vector.shape_cast %get3A_213 : vector<16xi32> to vector<16xi32>
      %get3A_215 = arith.constant 32 : index
      %get3A_216 = tpu.vector_load %arg10[%get3A_215] {strides = array<i32>} : memref<128xi32, #tpu.memory_space<vmem>>, vector<16xi32>,
      %get3A_217 = vector.shape_cast %get3A_216 : vector<16xi32> to vector<16xi32>
      %add3A_218 = arith.addi %get3A_214, %get3A_217 : vector<16xi32>
      %swap3A_219 = arith.constant 32 : index
      %swap3A_220 = tpu.vector_load %arg12[%swap3A_219] {strides = array<i32>} : memref<128xi32, #tpu.memory_space<vmem>>, vector<16xi32>,
      %swap3A_221 = vector.shape_cast %swap3A_220 : vector<16xi32> to vector<16xi32>
      %swap3A_222 = vector.shape_cast %add3A_218 : vector<16xi32> to vector<16xi32>
      tpu.vector_store %arg12[%swap3A_219], %swap3A_222 {strides = array<i32>} : memref<128xi32, #tpu.memory_space<vmem>>, vector<16xi32>,
      %get3A_223 = arith.constant 48 : index
      %get3A_224 = tpu.vector_load %arg8[%get3A_223] {strides = array<i32>} : memref<128xi32, #tpu.memory_space<vmem>>, vector<16xi32>,
      %get3A_225 = vector.shape_cast %get3A_224 : vector<16xi32> to vector<16xi32>
      %get3A_226 = arith.constant 48 : index
      %get3A_227 = tpu.vector_load %arg10[%get3A_226] {strides = array<i32>} : memref<128xi32, #tpu.memory_space<vmem>>, vector<16xi32>,
      %get3A_228 = vector.shape_cast %get3A_227 : vector<16xi32> to vector<16xi32>
      %add3A_229 = arith.addi %get3A_225, %get3A_228 : vector<16xi32>
      %swap3A_230 = arith.constant 48 : index
      %swap3A_231 = tpu.vector_load %arg12[%swap3A_230] {strides = array<i32>} : memref<128xi32, #tpu.memory_space<vmem>>, vector<16xi32>,
      %swap3A_232 = vector.shape_cast %swap3A_231 : vector<16xi32> to vector<16xi32>
      %swap3A_233 = vector.shape_cast %add3A_229 : vector<16xi32> to vector<16xi32>
      tpu.vector_store %arg12[%swap3A_230], %swap3A_233 {strides = array<i32>} : memref<128xi32, #tpu.memory_space<vmem>>, vector<16xi32>,
      %get3A_234 = arith.constant 64 : index
      %get3A_235 = tpu.vector_load %arg8[%get3A_234] {strides = array<i32>} : memref<128xi32, #tpu.memory_space<vmem>>, vector<16xi32>,
      %get3A_236 = vector.shape_cast %get3A_235 : vector<16xi32> to vector<16xi32>
      %get3A_237 = arith.constant 64 : index
      %get3A_238 = tpu.vector_load %arg10[%get3A_237] {strides = array<i32>} : memref<128xi32, #tpu.memory_space<vmem>>, vector<16xi32>,
      %get3A_239 = vector.shape_cast %get3A_238 : vector<16xi32> to vector<16xi32>
      %add3A_240 = arith.addi %get3A_236, %get3A_239 : vector<16xi32>
      %swap3A_241 = arith.constant 64 : index
      %swap3A_242 = tpu.vector_load %arg12[%swap3A_241] {strides = array<i32>} : memref<128xi32, #tpu.memory_space<vmem>>, vector<16xi32>,
      %swap3A_243 = vector.shape_cast %swap3A_242 : vector<16xi32> to vector<16xi32>
      %swap3A_244 = vector.shape_cast %add3A_240 : vector<16xi32> to vector<16xi32>
      tpu.vector_store %arg12[%swap3A_241], %swap3A_244 {strides = array<i32>} : memref<128xi32, #tpu.memory_space<vmem>>, vector<16xi32>,
      %get3A_245 = arith.constant 80 : index
      %get3A_246 = tpu.vector_load %arg8[%get3A_245] {strides = array<i32>} : memref<128xi32, #tpu.memory_space<vmem>>, vector<16xi32>,
      %get3A_247 = vector.shape_cast %get3A_246 : vector<16xi32> to vector<16xi32>
      %get3A_248 = arith.constant 80 : index
      %get3A_249 = tpu.vector_load %arg10[%get3A_248] {strides = array<i32>} : memref<128xi32, #tpu.memory_space<vmem>>, vector<16xi32>,
      %get3A_250 = vector.shape_cast %get3A_249 : vector<16xi32> to vector<16xi32>
      %add3A_251 = arith.addi %get3A_247, %get3A_250 : vector<16xi32>
      %swap3A_252 = arith.constant 80 : index
      %swap3A_253 = tpu.vector_load %arg12[%swap3A_252] {strides = array<i32>} : memref<128xi32, #tpu.memory_space<vmem>>, vector<16xi32>,
      %swap3A_254 = vector.shape_cast %swap3A_253 : vector<16xi32> to vector<16xi32>
      %swap3A_255 = vector.shape_cast %add3A_251 : vector<16xi32> to vector<16xi32>
      tpu.vector_store %arg12[%swap3A_252], %swap3A_255 {strides = array<i32>} : memref<128xi32, #tpu.memory_space<vmem>>, vector<16xi32>,
      %get3A_256 = arith.constant 96 : index
      %get3A_257 = tpu.vector_load %arg8[%get3A_256] {strides = array<i32>} : memref<128xi32, #tpu.memory_space<vmem>>, vector<16xi32>,
      %get3A_258 = vector.shape_cast %get3A_257 : vector<16xi32> to vector<16xi32>
      %get3A_259 = arith.constant 96 : index
      %get3A_260 = tpu.vector_load %arg10[%get3A_259] {strides = array<i32>} : memref<128xi32, #tpu.memory_space<vmem>>, vector<16xi32>,
      %get3A_261 = vector.shape_cast %get3A_260 : vector<16xi32> to vector<16xi32>
      %add3A_262 = arith.addi %get3A_258, %get3A_261 : vector<16xi32>
      %swap3A_263 = arith.constant 96 : index
      %swap3A_264 = tpu.vector_load %arg12[%swap3A_263] {strides = array<i32>} : memref<128xi32, #tpu.memory_space<vmem>>, vector<16xi32>,
      %swap3A_265 = vector.shape_cast %swap3A_264 : vector<16xi32> to vector<16xi32>
      %swap3A_266 = vector.shape_cast %add3A_262 : vector<16xi32> to vector<16xi32>
      tpu.vector_store %arg12[%swap3A_263], %swap3A_266 {strides = array<i32>} : memref<128xi32, #tpu.memory_space<vmem>>, vector<16xi32>,
      %get3A_267 = arith.constant 112 : index
      %get3A_268 = tpu.vector_load %arg8[%get3A_267] {strides = array<i32>} : memref<128xi32, #tpu.memory_space<vmem>>, vector<16xi32>,
      %get3A_269 = vector.shape_cast %get3A_268 : vector<16xi32> to vector<16xi32>
      %get3A_270 = arith.constant 112 : index
      %get3A_271 = tpu.vector_load %arg10[%get3A_270] {strides = array<i32>} : memref<128xi32, #tpu.memory_space<vmem>>, vector<16xi32>,
      %get3A_272 = vector.shape_cast %get3A_271 : vector<16xi32> to vector<16xi32>
      %add3A_273 = arith.addi %get3A_269, %get3A_272 : vector<16xi32>
      %swap3A_274 = arith.constant 112 : index
      %swap3A_275 = tpu.vector_load %arg12[%swap3A_274] {strides = array<i32>} : memref<128xi32, #tpu.memory_space<vmem>>, vector<16xi32>,
      %swap3A_276 = vector.shape_cast %swap3A_275 : vector<16xi32> to vector<16xi32>
      %swap3A_277 = vector.shape_cast %add3A_273 : vector<16xi32> to vector<16xi32>
      tpu.vector_store %arg12[%swap3A_274], %swap3A_277 {strides = array<i32>} : memref<128xi32, #tpu.memory_space<vmem>>, vector<16xi32>,
      %dma_start3A_278 = tpu.memref_slice %arg6[%add3A_165] : memref<294912xi32, #tpu.memory_space<hbm>> -> memref<128xi32, #tpu.memory_space<hbm>>
      %dma_start3A_279 = tpu.memref_slice %arg6[%add3A_165] : memref<294912xi32, #tpu.memory_space<hbm>> -> memref<128xi32, #tpu.memory_space<hbm>>
      tpu.enqueue_dma source(%arg12 : memref<128xi32, #tpu.memory_space<vmem>>) target(%dma_start3A_279 : memref<128xi32, #tpu.memory_space<hbm>>) target_semaphore(%arg15 : memref<!tpu.dma_semaphore, #tpu.memory_space<semaphore_mem>>)
      %dma_start3A_280 = arith.constant 1 : i32
      %dma_start3A_281 = arith.constant 0 : i32
      %dma_start3A_282 = arith.constant 0 : i32
      %dma_start3A_283 = tpu.memref_slice %arg13[%dma_start3A_280, %dma_start3A_281, %dma_start3A_282] : memref<2x128x128xf32, #tpu.memory_space<vmem>> -> memref<1x128x128xf32, #tpu.memory_space<vmem>>
      %dma_start3A_284 = tpu.memref_squeeze %dma_start3A_283 : memref<1x128x128xf32, #tpu.memory_space<vmem>> -> memref<128x128xf32, #tpu.memory_space<vmem>>
      %dma_start3A_285 = arith.constant 0 : i32
      %dma_start3A_286 = arith.constant 0 : i32
      %dma_start3A_287 = tpu.memref_slice %arg5[%dma_start3A_285, %dma_start3A_286] : memref<360448x128xf32, #tpu.memory_space<hbm>> -> memref<360448x128xf32, #tpu.memory_space<hbm>>
      tpu.enqueue_indirect_dma source(%dma_start3A_284 : memref<128x128xf32, #tpu.memory_space<vmem>>) target(%dma_start3A_287 : memref<360448x128xf32, #tpu.memory_space<hbm>>) offsets(%arg12 : memref<128xi32, #tpu.memory_space<vmem>>) semaphore(%arg15 : memref<!tpu.dma_semaphore, #tpu.memory_space<semaphore_mem>>)
      %dma_wait3A_288 = tpu.memref_slice %arg6[%add3A_165] : memref<294912xi32, #tpu.memory_space<hbm>> -> memref<128xi32, #tpu.memory_space<hbm>>
      %dma_wait3A_289 = tpu.memref_slice %arg6[%add3A_165] : memref<294912xi32, #tpu.memory_space<hbm>> -> memref<128xi32, #tpu.memory_space<hbm>>
      tpu.wait_dma2 semaphore(%arg15 : memref<!tpu.dma_semaphore, #tpu.memory_space<semaphore_mem>>) src(%arg12 : memref<128xi32, #tpu.memory_space<vmem>>) dst(%dma_wait3A_289 : memref<128xi32, #tpu.memory_space<hbm>>)
      %dma_wait3A_290 = arith.constant 1 : i32
      %dma_wait3A_291 = arith.constant 0 : i32
      %dma_wait3A_292 = arith.constant 0 : i32
      %dma_wait3A_293 = tpu.memref_slice %arg13[%dma_wait3A_290, %dma_wait3A_291, %dma_wait3A_292] : memref<2x128x128xf32, #tpu.memory_space<vmem>> -> memref<1x128x128xf32, #tpu.memory_space<vmem>>
      %dma_wait3A_294 = tpu.memref_squeeze %dma_wait3A_293 : memref<1x128x128xf32, #tpu.memory_space<vmem>> -> memref<128x128xf32, #tpu.memory_space<vmem>>
      %dma_wait3A_295 = arith.constant 0 : i32
      %dma_wait3A_296 = arith.constant 0 : i32
      %dma_wait3A_297 = tpu.memref_slice %arg5[%dma_wait3A_295, %dma_wait3A_296] : memref<360448x128xf32, #tpu.memory_space<hbm>> -> memref<360448x128xf32, #tpu.memory_space<hbm>>
      tpu.wait_indirect_dma semaphore(%arg15 : memref<!tpu.dma_semaphore, #tpu.memory_space<semaphore_mem>>) src(%dma_wait3A_294 : memref<128x128xf32, #tpu.memory_space<vmem>>) dst(%dma_wait3A_297 : memref<360448x128xf32, #tpu.memory_space<hbm>>)
    }
    %scan3A_24 = arith.constant 36 : i32
    return
  }
}

module attributes {stable_mosaic.version = 14 : i64} {
  func.func @_k1_body(%arg0: i32, %arg1: memref<1x128x256xf32, #tpu.memory_space<vmem>>, %arg2: memref<32x128xf32, #tpu.memory_space<vmem>>, %arg3: memref<32x1xf32, #tpu.memory_space<vmem>>, %arg4: memref<32x32xf32, #tpu.memory_space<vmem>>, %arg5: memref<32x1xf32, #tpu.memory_space<vmem>>, %arg6: memref<16x32xf32, #tpu.memory_space<vmem>>, %arg7: memref<16x1xf32, #tpu.memory_space<vmem>>, %arg8: memref<512x128xf32, #tpu.memory_space<vmem>>, %arg9: memref<512x1xf32, #tpu.memory_space<vmem>>, %arg10: memref<512x32xf32, #tpu.memory_space<vmem>>, %arg11: memref<512x1xf32, #tpu.memory_space<vmem>>, %arg12: memref<512x32xf32, #tpu.memory_space<vmem>>, %arg13: memref<512x1xf32, #tpu.memory_space<vmem>>, %arg14: memref<256x256xf32, #tpu.memory_space<vmem>>, %arg15: memref<1x1x256xi32, #tpu.memory_space<vmem>>, %arg16: memref<256x128xf32, #tpu.memory_space<vmem>>, %arg17: memref<1x1x256xi32, #tpu.memory_space<vmem>>, %arg18: memref<1x256x1xi32, #tpu.memory_space<vmem>>, %arg19: memref<256x1xf32, #tpu.memory_space<vmem>>) attributes {dimension_semantics = [#tpu.dimension_semantics<arbitrary>], iteration_bounds = array<i64: 1152>, scalar_prefetch = 0 : i64, scratch_operands = 1 : i64, tpu.core_type = #tpu.core_type<tc>, window_params = [{transform_indices = @transform_0, window_bounds = array<i64: 1, 128, 256>}, {pipeline_mode = #tpu.pipeline_mode<synchronous>, transform_indices = @transform_1, window_bounds = array<i64: 32, 128>}, {pipeline_mode = #tpu.pipeline_mode<synchronous>, transform_indices = @transform_2, window_bounds = array<i64: 32, 1>}, {pipeline_mode = #tpu.pipeline_mode<synchronous>, transform_indices = @transform_3, window_bounds = array<i64: 32, 32>}, {pipeline_mode = #tpu.pipeline_mode<synchronous>, transform_indices = @transform_4, window_bounds = array<i64: 32, 1>}, {pipeline_mode = #tpu.pipeline_mode<synchronous>, transform_indices = @transform_5, window_bounds = array<i64: 16, 32>}, {pipeline_mode = #tpu.pipeline_mode<synchronous>, transform_indices = @transform_6, window_bounds = array<i64: 16, 1>}, {pipeline_mode = #tpu.pipeline_mode<synchronous>, transform_indices = @transform_7, window_bounds = array<i64: 512, 128>}, {pipeline_mode = #tpu.pipeline_mode<synchronous>, transform_indices = @transform_8, window_bounds = array<i64: 512, 1>}, {pipeline_mode = #tpu.pipeline_mode<synchronous>, transform_indices = @transform_9, window_bounds = array<i64: 512, 32>}, {pipeline_mode = #tpu.pipeline_mode<synchronous>, transform_indices = @transform_10, window_bounds = array<i64: 512, 1>}, {pipeline_mode = #tpu.pipeline_mode<synchronous>, transform_indices = @transform_11, window_bounds = array<i64: 512, 32>}, {pipeline_mode = #tpu.pipeline_mode<synchronous>, transform_indices = @transform_12, window_bounds = array<i64: 512, 1>}, {pipeline_mode = #tpu.pipeline_mode<synchronous>, transform_indices = @transform_13, window_bounds = array<i64: 256, 256>}, {transform_indices = @transform_14, window_bounds = array<i64: 1, 1, 256>}, {transform_indices = @transform_15, window_bounds = array<i64: 256, 128>}, {transform_indices = @transform_16, window_bounds = array<i64: 1, 1, 256>}, {transform_indices = @transform_17, window_bounds = array<i64: 1, 256, 1>}]} {
    %get3A = arith.constant 0 : index
    %get3A_0 = arith.constant 0 : index
    %get3A_1 = arith.constant 0 : index
    %get3A_2 = vector.load %arg1[%get3A, %get3A_0, %get3A_1] : memref<1x128x256xf32, #tpu.memory_space<vmem>>, vector<1x128x256xf32>
    %get3A_3 = vector.shape_cast %get3A_2 : vector<1x128x256xf32> to vector<128x256xf32>
    %get3A_4 = arith.constant 0 : index
    %get3A_5 = arith.constant 0 : index
    %get3A_6 = vector.load %arg2[%get3A_4, %get3A_5] : memref<32x128xf32, #tpu.memory_space<vmem>>, vector<32x128xf32>
    %dot_general3A = arith.constant dense<0.000000e+00> : vector<32x256xf32>
    %dot_general3A_7 = tpu.matmul %get3A_6, %get3A_3, %dot_general3A {dimension_numbers = #tpu.dot_dimension_numbers<[1], [0], [0], [1], [0, 0, 1, 1], [], []>, transpose_lhs_hint = false} : vector<32x128xf32>, vector<128x256xf32>, vector<32x256xf32> -> vector<32x256xf32>
    %get3A_8 = arith.constant 0 : index
    %get3A_9 = arith.constant 0 : index
    %get3A_10 = vector.load %arg3[%get3A_8, %get3A_9] : memref<32x1xf32, #tpu.memory_space<vmem>>, vector<32x1xf32>
    %add3A = vector.broadcast %get3A_10 : vector<32x1xf32> to vector<32x256xf32>
    %add3A_11 = arith.addf %dot_general3A_7, %add3A : vector<32x256xf32>
    %ge3A = arith.constant 0.000000e+00 : f32
    %ge3A_12 = vector.broadcast %ge3A : f32 to vector<32x256xf32>
    %ge3A_13 = arith.cmpf oge, %add3A_11, %ge3A_12 : vector<32x256xf32>
    %mul3A = arith.constant 0.00999999977 : f32
    %mul3A_14 = vector.broadcast %mul3A : f32 to vector<32x256xf32>
    %mul3A_15 = arith.mulf %mul3A_14, %add3A_11 : vector<32x256xf32>
    %select_n3A = arith.select %ge3A_13, %add3A_11, %mul3A_15 : vector<32x256xi1>, vector<32x256xf32>
    %get3A_16 = arith.constant 0 : index
    %get3A_17 = arith.constant 0 : index
    %get3A_18 = vector.load %arg4[%get3A_16, %get3A_17] : memref<32x32xf32, #tpu.memory_space<vmem>>, vector<32x32xf32>
    %dot_general3A_19 = arith.constant dense<0.000000e+00> : vector<32x256xf32>
    %dot_general3A_20 = tpu.matmul %get3A_18, %select_n3A, %dot_general3A_19 {dimension_numbers = #tpu.dot_dimension_numbers<[1], [0], [0], [1], [0, 0, 1, 1], [], []>, transpose_lhs_hint = false} : vector<32x32xf32>, vector<32x256xf32>, vector<32x256xf32> -> vector<32x256xf32>
    %get3A_21 = arith.constant 0 : index
    %get3A_22 = arith.constant 0 : index
    %get3A_23 = vector.load %arg5[%get3A_21, %get3A_22] : memref<32x1xf32, #tpu.memory_space<vmem>>, vector<32x1xf32>
    %add3A_24 = vector.broadcast %get3A_23 : vector<32x1xf32> to vector<32x256xf32>
    %add3A_25 = arith.addf %dot_general3A_20, %add3A_24 : vector<32x256xf32>
    %ge3A_26 = arith.constant 0.000000e+00 : f32
    %ge3A_27 = vector.broadcast %ge3A_26 : f32 to vector<32x256xf32>
    %ge3A_28 = arith.cmpf oge, %add3A_25, %ge3A_27 : vector<32x256xf32>
    %mul3A_29 = arith.constant 0.00999999977 : f32
    %mul3A_30 = vector.broadcast %mul3A_29 : f32 to vector<32x256xf32>
    %mul3A_31 = arith.mulf %mul3A_30, %add3A_25 : vector<32x256xf32>
    %select_n3A_32 = arith.select %ge3A_28, %add3A_25, %mul3A_31 : vector<32x256xi1>, vector<32x256xf32>
    %get3A_33 = arith.constant 0 : index
    %get3A_34 = arith.constant 0 : index
    %get3A_35 = vector.load %arg6[%get3A_33, %get3A_34] : memref<16x32xf32, #tpu.memory_space<vmem>>, vector<16x32xf32>
    %dot_general3A_36 = arith.constant dense<0.000000e+00> : vector<16x256xf32>
    %dot_general3A_37 = tpu.matmul %get3A_35, %select_n3A_32, %dot_general3A_36 {dimension_numbers = #tpu.dot_dimension_numbers<[1], [0], [0], [1], [0, 0, 1, 1], [], []>, transpose_lhs_hint = false} : vector<16x32xf32>, vector<32x256xf32>, vector<16x256xf32> -> vector<16x256xf32>
    %get3A_38 = arith.constant 0 : index
    %get3A_39 = arith.constant 0 : index
    %get3A_40 = vector.load %arg7[%get3A_38, %get3A_39] : memref<16x1xf32, #tpu.memory_space<vmem>>, vector<16x1xf32>
    %add3A_41 = vector.broadcast %get3A_40 : vector<16x1xf32> to vector<16x256xf32>
    %add3A_42 = arith.addf %dot_general3A_37, %add3A_41 : vector<16x256xf32>
    %argmax3A = tpu.reduce_index %add3A_42 {axis = 0 : i32, kind = #tpu.reduction_kind<arg_max>} : vector<16x256xf32> -> vector<256xi32>
    %get3A_43 = arith.constant 0 : index
    %get3A_44 = arith.constant 0 : index
    %get3A_45 = vector.load %arg8[%get3A_43, %get3A_44] : memref<512x128xf32, #tpu.memory_space<vmem>>, vector<512x128xf32>
    %dot_general3A_46 = arith.constant dense<0.000000e+00> : vector<512x256xf32>
    %dot_general3A_47 = tpu.matmul %get3A_45, %get3A_3, %dot_general3A_46 {dimension_numbers = #tpu.dot_dimension_numbers<[1], [0], [0], [1], [0, 0, 1, 1], [], []>, transpose_lhs_hint = false} : vector<512x128xf32>, vector<128x256xf32>, vector<512x256xf32> -> vector<512x256xf32>
    %get3A_48 = arith.constant 0 : index
    %get3A_49 = arith.constant 0 : index
    %get3A_50 = vector.load %arg9[%get3A_48, %get3A_49] : memref<512x1xf32, #tpu.memory_space<vmem>>, vector<512x1xf32>
    %add3A_51 = vector.broadcast %get3A_50 : vector<512x1xf32> to vector<512x256xf32>
    %add3A_52 = arith.addf %dot_general3A_47, %add3A_51 : vector<512x256xf32>
    %ge3A_53 = arith.constant 0.000000e+00 : f32
    %ge3A_54 = vector.broadcast %ge3A_53 : f32 to vector<512x256xf32>
    %ge3A_55 = arith.cmpf oge, %add3A_52, %ge3A_54 : vector<512x256xf32>
    %mul3A_56 = arith.constant 0.00999999977 : f32
    %mul3A_57 = vector.broadcast %mul3A_56 : f32 to vector<512x256xf32>
    %mul3A_58 = arith.mulf %mul3A_57, %add3A_52 : vector<512x256xf32>
    %select_n3A_59 = arith.select %ge3A_55, %add3A_52, %mul3A_58 : vector<512x256xi1>, vector<512x256xf32>
    %broadcast_in_dim3A = arith.constant 0.000000e+00 : f32
    %broadcast_in_dim3A_60 = vector.broadcast %broadcast_in_dim3A : f32 to vector<32x256xf32>
    %eq3A = arith.constant 0 : i32
    %eq3A_61 = vector.broadcast %eq3A : i32 to vector<256xi32>
    %eq3A_62 = arith.cmpi eq, %argmax3A, %eq3A_61 : vector<256xi32>
    %broadcast_in_dim3A_63 = vector.shape_cast %eq3A_62 : vector<256xi1> to vector<1x256xi1>
    %slice3A = vector.extract_strided_slice %select_n3A_59 {offsets = [0, 0], sizes = [32, 256], strides = [1, 1]} : vector<512x256xf32> to vector<32x256xf32>
    %jit3A = arith.constant 0.000000e+00 : f32
    %broadcast_in_dim3A_64 = vector.shape_cast %broadcast_in_dim3A_63 : vector<1x256xi1> to vector<1x256xi1>
    %broadcast_in_dim3A_65 = vector.broadcast %broadcast_in_dim3A_64 : vector<1x256xi1> to vector<32x256xi1>
    %broadcast_in_dim3A_66 = vector.broadcast %jit3A : f32 to vector<32x256xf32>
    %select_n3A_67 = arith.select %broadcast_in_dim3A_65, %slice3A, %broadcast_in_dim3A_66 : vector<32x256xi1>, vector<32x256xf32>
    %add3A_68 = arith.addf %broadcast_in_dim3A_60, %select_n3A_67 : vector<32x256xf32>
    %eq3A_69 = arith.constant 1 : i32
    %eq3A_70 = vector.broadcast %eq3A_69 : i32 to vector<256xi32>
    %eq3A_71 = arith.cmpi eq, %argmax3A, %eq3A_70 : vector<256xi32>
    %broadcast_in_dim3A_72 = vector.shape_cast %eq3A_71 : vector<256xi1> to vector<1x256xi1>
    %slice3A_73 = vector.extract_strided_slice %select_n3A_59 {offsets = [32, 0], sizes = [32, 256], strides = [1, 1]} : vector<512x256xf32> to vector<32x256xf32>
    %jit3A_74 = arith.constant 0.000000e+00 : f32
    %broadcast_in_dim3A_75 = vector.shape_cast %broadcast_in_dim3A_72 : vector<1x256xi1> to vector<1x256xi1>
    %broadcast_in_dim3A_76 = vector.broadcast %broadcast_in_dim3A_75 : vector<1x256xi1> to vector<32x256xi1>
    %broadcast_in_dim3A_77 = vector.broadcast %jit3A_74 : f32 to vector<32x256xf32>
    %select_n3A_78 = arith.select %broadcast_in_dim3A_76, %slice3A_73, %broadcast_in_dim3A_77 : vector<32x256xi1>, vector<32x256xf32>
    %add3A_79 = arith.addf %add3A_68, %select_n3A_78 : vector<32x256xf32>
    %eq3A_80 = arith.constant 2 : i32
    %eq3A_81 = vector.broadcast %eq3A_80 : i32 to vector<256xi32>
    %eq3A_82 = arith.cmpi eq, %argmax3A, %eq3A_81 : vector<256xi32>
    %broadcast_in_dim3A_83 = vector.shape_cast %eq3A_82 : vector<256xi1> to vector<1x256xi1>
    %slice3A_84 = vector.extract_strided_slice %select_n3A_59 {offsets = [64, 0], sizes = [32, 256], strides = [1, 1]} : vector<512x256xf32> to vector<32x256xf32>
    %jit3A_85 = arith.constant 0.000000e+00 : f32
    %broadcast_in_dim3A_86 = vector.shape_cast %broadcast_in_dim3A_83 : vector<1x256xi1> to vector<1x256xi1>
    %broadcast_in_dim3A_87 = vector.broadcast %broadcast_in_dim3A_86 : vector<1x256xi1> to vector<32x256xi1>
    %broadcast_in_dim3A_88 = vector.broadcast %jit3A_85 : f32 to vector<32x256xf32>
    %select_n3A_89 = arith.select %broadcast_in_dim3A_87, %slice3A_84, %broadcast_in_dim3A_88 : vector<32x256xi1>, vector<32x256xf32>
    %add3A_90 = arith.addf %add3A_79, %select_n3A_89 : vector<32x256xf32>
    %eq3A_91 = arith.constant 3 : i32
    %eq3A_92 = vector.broadcast %eq3A_91 : i32 to vector<256xi32>
    %eq3A_93 = arith.cmpi eq, %argmax3A, %eq3A_92 : vector<256xi32>
    %broadcast_in_dim3A_94 = vector.shape_cast %eq3A_93 : vector<256xi1> to vector<1x256xi1>
    %slice3A_95 = vector.extract_strided_slice %select_n3A_59 {offsets = [96, 0], sizes = [32, 256], strides = [1, 1]} : vector<512x256xf32> to vector<32x256xf32>
    %jit3A_96 = arith.constant 0.000000e+00 : f32
    %broadcast_in_dim3A_97 = vector.shape_cast %broadcast_in_dim3A_94 : vector<1x256xi1> to vector<1x256xi1>
    %broadcast_in_dim3A_98 = vector.broadcast %broadcast_in_dim3A_97 : vector<1x256xi1> to vector<32x256xi1>
    %broadcast_in_dim3A_99 = vector.broadcast %jit3A_96 : f32 to vector<32x256xf32>
    %select_n3A_100 = arith.select %broadcast_in_dim3A_98, %slice3A_95, %broadcast_in_dim3A_99 : vector<32x256xi1>, vector<32x256xf32>
    %add3A_101 = arith.addf %add3A_90, %select_n3A_100 : vector<32x256xf32>
    %eq3A_102 = arith.constant 4 : i32
    %eq3A_103 = vector.broadcast %eq3A_102 : i32 to vector<256xi32>
    %eq3A_104 = arith.cmpi eq, %argmax3A, %eq3A_103 : vector<256xi32>
    %broadcast_in_dim3A_105 = vector.shape_cast %eq3A_104 : vector<256xi1> to vector<1x256xi1>
    %slice3A_106 = vector.extract_strided_slice %select_n3A_59 {offsets = [128, 0], sizes = [32, 256], strides = [1, 1]} : vector<512x256xf32> to vector<32x256xf32>
    %jit3A_107 = arith.constant 0.000000e+00 : f32
    %broadcast_in_dim3A_108 = vector.shape_cast %broadcast_in_dim3A_105 : vector<1x256xi1> to vector<1x256xi1>
    %broadcast_in_dim3A_109 = vector.broadcast %broadcast_in_dim3A_108 : vector<1x256xi1> to vector<32x256xi1>
    %broadcast_in_dim3A_110 = vector.broadcast %jit3A_107 : f32 to vector<32x256xf32>
    %select_n3A_111 = arith.select %broadcast_in_dim3A_109, %slice3A_106, %broadcast_in_dim3A_110 : vector<32x256xi1>, vector<32x256xf32>
    %add3A_112 = arith.addf %add3A_101, %select_n3A_111 : vector<32x256xf32>
    %eq3A_113 = arith.constant 5 : i32
    %eq3A_114 = vector.broadcast %eq3A_113 : i32 to vector<256xi32>
    %eq3A_115 = arith.cmpi eq, %argmax3A, %eq3A_114 : vector<256xi32>
    %broadcast_in_dim3A_116 = vector.shape_cast %eq3A_115 : vector<256xi1> to vector<1x256xi1>
    %slice3A_117 = vector.extract_strided_slice %select_n3A_59 {offsets = [160, 0], sizes = [32, 256], strides = [1, 1]} : vector<512x256xf32> to vector<32x256xf32>
    %jit3A_118 = arith.constant 0.000000e+00 : f32
    %broadcast_in_dim3A_119 = vector.shape_cast %broadcast_in_dim3A_116 : vector<1x256xi1> to vector<1x256xi1>
    %broadcast_in_dim3A_120 = vector.broadcast %broadcast_in_dim3A_119 : vector<1x256xi1> to vector<32x256xi1>
    %broadcast_in_dim3A_121 = vector.broadcast %jit3A_118 : f32 to vector<32x256xf32>
    %select_n3A_122 = arith.select %broadcast_in_dim3A_120, %slice3A_117, %broadcast_in_dim3A_121 : vector<32x256xi1>, vector<32x256xf32>
    %add3A_123 = arith.addf %add3A_112, %select_n3A_122 : vector<32x256xf32>
    %eq3A_124 = arith.constant 6 : i32
    %eq3A_125 = vector.broadcast %eq3A_124 : i32 to vector<256xi32>
    %eq3A_126 = arith.cmpi eq, %argmax3A, %eq3A_125 : vector<256xi32>
    %broadcast_in_dim3A_127 = vector.shape_cast %eq3A_126 : vector<256xi1> to vector<1x256xi1>
    %slice3A_128 = vector.extract_strided_slice %select_n3A_59 {offsets = [192, 0], sizes = [32, 256], strides = [1, 1]} : vector<512x256xf32> to vector<32x256xf32>
    %jit3A_129 = arith.constant 0.000000e+00 : f32
    %broadcast_in_dim3A_130 = vector.shape_cast %broadcast_in_dim3A_127 : vector<1x256xi1> to vector<1x256xi1>
    %broadcast_in_dim3A_131 = vector.broadcast %broadcast_in_dim3A_130 : vector<1x256xi1> to vector<32x256xi1>
    %broadcast_in_dim3A_132 = vector.broadcast %jit3A_129 : f32 to vector<32x256xf32>
    %select_n3A_133 = arith.select %broadcast_in_dim3A_131, %slice3A_128, %broadcast_in_dim3A_132 : vector<32x256xi1>, vector<32x256xf32>
    %add3A_134 = arith.addf %add3A_123, %select_n3A_133 : vector<32x256xf32>
    %eq3A_135 = arith.constant 7 : i32
    %eq3A_136 = vector.broadcast %eq3A_135 : i32 to vector<256xi32>
    %eq3A_137 = arith.cmpi eq, %argmax3A, %eq3A_136 : vector<256xi32>
    %broadcast_in_dim3A_138 = vector.shape_cast %eq3A_137 : vector<256xi1> to vector<1x256xi1>
    %slice3A_139 = vector.extract_strided_slice %select_n3A_59 {offsets = [224, 0], sizes = [32, 256], strides = [1, 1]} : vector<512x256xf32> to vector<32x256xf32>
    %jit3A_140 = arith.constant 0.000000e+00 : f32
    %broadcast_in_dim3A_141 = vector.shape_cast %broadcast_in_dim3A_138 : vector<1x256xi1> to vector<1x256xi1>
    %broadcast_in_dim3A_142 = vector.broadcast %broadcast_in_dim3A_141 : vector<1x256xi1> to vector<32x256xi1>
    %broadcast_in_dim3A_143 = vector.broadcast %jit3A_140 : f32 to vector<32x256xf32>
    %select_n3A_144 = arith.select %broadcast_in_dim3A_142, %slice3A_139, %broadcast_in_dim3A_143 : vector<32x256xi1>, vector<32x256xf32>
    %add3A_145 = arith.addf %add3A_134, %select_n3A_144 : vector<32x256xf32>
    %eq3A_146 = arith.constant 8 : i32
    %eq3A_147 = vector.broadcast %eq3A_146 : i32 to vector<256xi32>
    %eq3A_148 = arith.cmpi eq, %argmax3A, %eq3A_147 : vector<256xi32>
    %broadcast_in_dim3A_149 = vector.shape_cast %eq3A_148 : vector<256xi1> to vector<1x256xi1>
    %slice3A_150 = vector.extract_strided_slice %select_n3A_59 {offsets = [256, 0], sizes = [32, 256], strides = [1, 1]} : vector<512x256xf32> to vector<32x256xf32>
    %jit3A_151 = arith.constant 0.000000e+00 : f32
    %broadcast_in_dim3A_152 = vector.shape_cast %broadcast_in_dim3A_149 : vector<1x256xi1> to vector<1x256xi1>
    %broadcast_in_dim3A_153 = vector.broadcast %broadcast_in_dim3A_152 : vector<1x256xi1> to vector<32x256xi1>
    %broadcast_in_dim3A_154 = vector.broadcast %jit3A_151 : f32 to vector<32x256xf32>
    %select_n3A_155 = arith.select %broadcast_in_dim3A_153, %slice3A_150, %broadcast_in_dim3A_154 : vector<32x256xi1>, vector<32x256xf32>
    %add3A_156 = arith.addf %add3A_145, %select_n3A_155 : vector<32x256xf32>
    %eq3A_157 = arith.constant 9 : i32
    %eq3A_158 = vector.broadcast %eq3A_157 : i32 to vector<256xi32>
    %eq3A_159 = arith.cmpi eq, %argmax3A, %eq3A_158 : vector<256xi32>
    %broadcast_in_dim3A_160 = vector.shape_cast %eq3A_159 : vector<256xi1> to vector<1x256xi1>
    %slice3A_161 = vector.extract_strided_slice %select_n3A_59 {offsets = [288, 0], sizes = [32, 256], strides = [1, 1]} : vector<512x256xf32> to vector<32x256xf32>
    %jit3A_162 = arith.constant 0.000000e+00 : f32
    %broadcast_in_dim3A_163 = vector.shape_cast %broadcast_in_dim3A_160 : vector<1x256xi1> to vector<1x256xi1>
    %broadcast_in_dim3A_164 = vector.broadcast %broadcast_in_dim3A_163 : vector<1x256xi1> to vector<32x256xi1>
    %broadcast_in_dim3A_165 = vector.broadcast %jit3A_162 : f32 to vector<32x256xf32>
    %select_n3A_166 = arith.select %broadcast_in_dim3A_164, %slice3A_161, %broadcast_in_dim3A_165 : vector<32x256xi1>, vector<32x256xf32>
    %add3A_167 = arith.addf %add3A_156, %select_n3A_166 : vector<32x256xf32>
    %eq3A_168 = arith.constant 10 : i32
    %eq3A_169 = vector.broadcast %eq3A_168 : i32 to vector<256xi32>
    %eq3A_170 = arith.cmpi eq, %argmax3A, %eq3A_169 : vector<256xi32>
    %broadcast_in_dim3A_171 = vector.shape_cast %eq3A_170 : vector<256xi1> to vector<1x256xi1>
    %slice3A_172 = vector.extract_strided_slice %select_n3A_59 {offsets = [320, 0], sizes = [32, 256], strides = [1, 1]} : vector<512x256xf32> to vector<32x256xf32>
    %jit3A_173 = arith.constant 0.000000e+00 : f32
    %broadcast_in_dim3A_174 = vector.shape_cast %broadcast_in_dim3A_171 : vector<1x256xi1> to vector<1x256xi1>
    %broadcast_in_dim3A_175 = vector.broadcast %broadcast_in_dim3A_174 : vector<1x256xi1> to vector<32x256xi1>
    %broadcast_in_dim3A_176 = vector.broadcast %jit3A_173 : f32 to vector<32x256xf32>
    %select_n3A_177 = arith.select %broadcast_in_dim3A_175, %slice3A_172, %broadcast_in_dim3A_176 : vector<32x256xi1>, vector<32x256xf32>
    %add3A_178 = arith.addf %add3A_167, %select_n3A_177 : vector<32x256xf32>
    %eq3A_179 = arith.constant 11 : i32
    %eq3A_180 = vector.broadcast %eq3A_179 : i32 to vector<256xi32>
    %eq3A_181 = arith.cmpi eq, %argmax3A, %eq3A_180 : vector<256xi32>
    %broadcast_in_dim3A_182 = vector.shape_cast %eq3A_181 : vector<256xi1> to vector<1x256xi1>
    %slice3A_183 = vector.extract_strided_slice %select_n3A_59 {offsets = [352, 0], sizes = [32, 256], strides = [1, 1]} : vector<512x256xf32> to vector<32x256xf32>
    %jit3A_184 = arith.constant 0.000000e+00 : f32
    %broadcast_in_dim3A_185 = vector.shape_cast %broadcast_in_dim3A_182 : vector<1x256xi1> to vector<1x256xi1>
    %broadcast_in_dim3A_186 = vector.broadcast %broadcast_in_dim3A_185 : vector<1x256xi1> to vector<32x256xi1>
    %broadcast_in_dim3A_187 = vector.broadcast %jit3A_184 : f32 to vector<32x256xf32>
    %select_n3A_188 = arith.select %broadcast_in_dim3A_186, %slice3A_183, %broadcast_in_dim3A_187 : vector<32x256xi1>, vector<32x256xf32>
    %add3A_189 = arith.addf %add3A_178, %select_n3A_188 : vector<32x256xf32>
    %eq3A_190 = arith.constant 12 : i32
    %eq3A_191 = vector.broadcast %eq3A_190 : i32 to vector<256xi32>
    %eq3A_192 = arith.cmpi eq, %argmax3A, %eq3A_191 : vector<256xi32>
    %broadcast_in_dim3A_193 = vector.shape_cast %eq3A_192 : vector<256xi1> to vector<1x256xi1>
    %slice3A_194 = vector.extract_strided_slice %select_n3A_59 {offsets = [384, 0], sizes = [32, 256], strides = [1, 1]} : vector<512x256xf32> to vector<32x256xf32>
    %jit3A_195 = arith.constant 0.000000e+00 : f32
    %broadcast_in_dim3A_196 = vector.shape_cast %broadcast_in_dim3A_193 : vector<1x256xi1> to vector<1x256xi1>
    %broadcast_in_dim3A_197 = vector.broadcast %broadcast_in_dim3A_196 : vector<1x256xi1> to vector<32x256xi1>
    %broadcast_in_dim3A_198 = vector.broadcast %jit3A_195 : f32 to vector<32x256xf32>
    %select_n3A_199 = arith.select %broadcast_in_dim3A_197, %slice3A_194, %broadcast_in_dim3A_198 : vector<32x256xi1>, vector<32x256xf32>
    %add3A_200 = arith.addf %add3A_189, %select_n3A_199 : vector<32x256xf32>
    %eq3A_201 = arith.constant 13 : i32
    %eq3A_202 = vector.broadcast %eq3A_201 : i32 to vector<256xi32>
    %eq3A_203 = arith.cmpi eq, %argmax3A, %eq3A_202 : vector<256xi32>
    %broadcast_in_dim3A_204 = vector.shape_cast %eq3A_203 : vector<256xi1> to vector<1x256xi1>
    %slice3A_205 = vector.extract_strided_slice %select_n3A_59 {offsets = [416, 0], sizes = [32, 256], strides = [1, 1]} : vector<512x256xf32> to vector<32x256xf32>
    %jit3A_206 = arith.constant 0.000000e+00 : f32
    %broadcast_in_dim3A_207 = vector.shape_cast %broadcast_in_dim3A_204 : vector<1x256xi1> to vector<1x256xi1>
    %broadcast_in_dim3A_208 = vector.broadcast %broadcast_in_dim3A_207 : vector<1x256xi1> to vector<32x256xi1>
    %broadcast_in_dim3A_209 = vector.broadcast %jit3A_206 : f32 to vector<32x256xf32>
    %select_n3A_210 = arith.select %broadcast_in_dim3A_208, %slice3A_205, %broadcast_in_dim3A_209 : vector<32x256xi1>, vector<32x256xf32>
    %add3A_211 = arith.addf %add3A_200, %select_n3A_210 : vector<32x256xf32>
    %eq3A_212 = arith.constant 14 : i32
    %eq3A_213 = vector.broadcast %eq3A_212 : i32 to vector<256xi32>
    %eq3A_214 = arith.cmpi eq, %argmax3A, %eq3A_213 : vector<256xi32>
    %broadcast_in_dim3A_215 = vector.shape_cast %eq3A_214 : vector<256xi1> to vector<1x256xi1>
    %slice3A_216 = vector.extract_strided_slice %select_n3A_59 {offsets = [448, 0], sizes = [32, 256], strides = [1, 1]} : vector<512x256xf32> to vector<32x256xf32>
    %jit3A_217 = arith.constant 0.000000e+00 : f32
    %broadcast_in_dim3A_218 = vector.shape_cast %broadcast_in_dim3A_215 : vector<1x256xi1> to vector<1x256xi1>
    %broadcast_in_dim3A_219 = vector.broadcast %broadcast_in_dim3A_218 : vector<1x256xi1> to vector<32x256xi1>
    %broadcast_in_dim3A_220 = vector.broadcast %jit3A_217 : f32 to vector<32x256xf32>
    %select_n3A_221 = arith.select %broadcast_in_dim3A_219, %slice3A_216, %broadcast_in_dim3A_220 : vector<32x256xi1>, vector<32x256xf32>
    %add3A_222 = arith.addf %add3A_211, %select_n3A_221 : vector<32x256xf32>
    %eq3A_223 = arith.constant 15 : i32
    %eq3A_224 = vector.broadcast %eq3A_223 : i32 to vector<256xi32>
    %eq3A_225 = arith.cmpi eq, %argmax3A, %eq3A_224 : vector<256xi32>
    %broadcast_in_dim3A_226 = vector.shape_cast %eq3A_225 : vector<256xi1> to vector<1x256xi1>
    %slice3A_227 = vector.extract_strided_slice %select_n3A_59 {offsets = [480, 0], sizes = [32, 256], strides = [1, 1]} : vector<512x256xf32> to vector<32x256xf32>
    %jit3A_228 = arith.constant 0.000000e+00 : f32
    %broadcast_in_dim3A_229 = vector.shape_cast %broadcast_in_dim3A_226 : vector<1x256xi1> to vector<1x256xi1>
    %broadcast_in_dim3A_230 = vector.broadcast %broadcast_in_dim3A_229 : vector<1x256xi1> to vector<32x256xi1>
    %broadcast_in_dim3A_231 = vector.broadcast %jit3A_228 : f32 to vector<32x256xf32>
    %select_n3A_232 = arith.select %broadcast_in_dim3A_230, %slice3A_227, %broadcast_in_dim3A_231 : vector<32x256xi1>, vector<32x256xf32>
    %add3A_233 = arith.addf %add3A_222, %select_n3A_232 : vector<32x256xf32>
    %get3A_234 = arith.constant 0 : index
    %get3A_235 = arith.constant 0 : index
    %get3A_236 = vector.load %arg10[%get3A_234, %get3A_235] : memref<512x32xf32, #tpu.memory_space<vmem>>, vector<512x32xf32>
    %dot_general3A_237 = arith.constant dense<0.000000e+00> : vector<512x256xf32>
    %dot_general3A_238 = tpu.matmul %get3A_236, %add3A_233, %dot_general3A_237 {dimension_numbers = #tpu.dot_dimension_numbers<[1], [0], [0], [1], [0, 0, 1, 1], [], []>, transpose_lhs_hint = false} : vector<512x32xf32>, vector<32x256xf32>, vector<512x256xf32> -> vector<512x256xf32>
    %get3A_239 = arith.constant 0 : index
    %get3A_240 = arith.constant 0 : index
    %get3A_241 = vector.load %arg11[%get3A_239, %get3A_240] : memref<512x1xf32, #tpu.memory_space<vmem>>, vector<512x1xf32>
    %add3A_242 = vector.broadcast %get3A_241 : vector<512x1xf32> to vector<512x256xf32>
    %add3A_243 = arith.addf %dot_general3A_238, %add3A_242 : vector<512x256xf32>
    %ge3A_244 = arith.constant 0.000000e+00 : f32
    %ge3A_245 = vector.broadcast %ge3A_244 : f32 to vector<512x256xf32>
    %ge3A_246 = arith.cmpf oge, %add3A_243, %ge3A_245 : vector<512x256xf32>
    %mul3A_247 = arith.constant 0.00999999977 : f32
    %mul3A_248 = vector.broadcast %mul3A_247 : f32 to vector<512x256xf32>
    %mul3A_249 = arith.mulf %mul3A_248, %add3A_243 : vector<512x256xf32>
    %select_n3A_250 = arith.select %ge3A_246, %add3A_243, %mul3A_249 : vector<512x256xi1>, vector<512x256xf32>
    %broadcast_in_dim3A_251 = arith.constant 0.000000e+00 : f32
    %broadcast_in_dim3A_252 = vector.broadcast %broadcast_in_dim3A_251 : f32 to vector<32x256xf32>
    %eq3A_253 = arith.constant 0 : i32
    %eq3A_254 = vector.broadcast %eq3A_253 : i32 to vector<256xi32>
    %eq3A_255 = arith.cmpi eq, %argmax3A, %eq3A_254 : vector<256xi32>
    %broadcast_in_dim3A_256 = vector.shape_cast %eq3A_255 : vector<256xi1> to vector<1x256xi1>
    %slice3A_257 = vector.extract_strided_slice %select_n3A_250 {offsets = [0, 0], sizes = [32, 256], strides = [1, 1]} : vector<512x256xf32> to vector<32x256xf32>
    %jit3A_258 = arith.constant 0.000000e+00 : f32
    %broadcast_in_dim3A_259 = vector.shape_cast %broadcast_in_dim3A_256 : vector<1x256xi1> to vector<1x256xi1>
    %broadcast_in_dim3A_260 = vector.broadcast %broadcast_in_dim3A_259 : vector<1x256xi1> to vector<32x256xi1>
    %broadcast_in_dim3A_261 = vector.broadcast %jit3A_258 : f32 to vector<32x256xf32>
    %select_n3A_262 = arith.select %broadcast_in_dim3A_260, %slice3A_257, %broadcast_in_dim3A_261 : vector<32x256xi1>, vector<32x256xf32>
    %add3A_263 = arith.addf %broadcast_in_dim3A_252, %select_n3A_262 : vector<32x256xf32>
    %eq3A_264 = arith.constant 1 : i32
    %eq3A_265 = vector.broadcast %eq3A_264 : i32 to vector<256xi32>
    %eq3A_266 = arith.cmpi eq, %argmax3A, %eq3A_265 : vector<256xi32>
    %broadcast_in_dim3A_267 = vector.shape_cast %eq3A_266 : vector<256xi1> to vector<1x256xi1>
    %slice3A_268 = vector.extract_strided_slice %select_n3A_250 {offsets = [32, 0], sizes = [32, 256], strides = [1, 1]} : vector<512x256xf32> to vector<32x256xf32>
    %jit3A_269 = arith.constant 0.000000e+00 : f32
    %broadcast_in_dim3A_270 = vector.shape_cast %broadcast_in_dim3A_267 : vector<1x256xi1> to vector<1x256xi1>
    %broadcast_in_dim3A_271 = vector.broadcast %broadcast_in_dim3A_270 : vector<1x256xi1> to vector<32x256xi1>
    %broadcast_in_dim3A_272 = vector.broadcast %jit3A_269 : f32 to vector<32x256xf32>
    %select_n3A_273 = arith.select %broadcast_in_dim3A_271, %slice3A_268, %broadcast_in_dim3A_272 : vector<32x256xi1>, vector<32x256xf32>
    %add3A_274 = arith.addf %add3A_263, %select_n3A_273 : vector<32x256xf32>
    %eq3A_275 = arith.constant 2 : i32
    %eq3A_276 = vector.broadcast %eq3A_275 : i32 to vector<256xi32>
    %eq3A_277 = arith.cmpi eq, %argmax3A, %eq3A_276 : vector<256xi32>
    %broadcast_in_dim3A_278 = vector.shape_cast %eq3A_277 : vector<256xi1> to vector<1x256xi1>
    %slice3A_279 = vector.extract_strided_slice %select_n3A_250 {offsets = [64, 0], sizes = [32, 256], strides = [1, 1]} : vector<512x256xf32> to vector<32x256xf32>
    %jit3A_280 = arith.constant 0.000000e+00 : f32
    %broadcast_in_dim3A_281 = vector.shape_cast %broadcast_in_dim3A_278 : vector<1x256xi1> to vector<1x256xi1>
    %broadcast_in_dim3A_282 = vector.broadcast %broadcast_in_dim3A_281 : vector<1x256xi1> to vector<32x256xi1>
    %broadcast_in_dim3A_283 = vector.broadcast %jit3A_280 : f32 to vector<32x256xf32>
    %select_n3A_284 = arith.select %broadcast_in_dim3A_282, %slice3A_279, %broadcast_in_dim3A_283 : vector<32x256xi1>, vector<32x256xf32>
    %add3A_285 = arith.addf %add3A_274, %select_n3A_284 : vector<32x256xf32>
    %eq3A_286 = arith.constant 3 : i32
    %eq3A_287 = vector.broadcast %eq3A_286 : i32 to vector<256xi32>
    %eq3A_288 = arith.cmpi eq, %argmax3A, %eq3A_287 : vector<256xi32>
    %broadcast_in_dim3A_289 = vector.shape_cast %eq3A_288 : vector<256xi1> to vector<1x256xi1>
    %slice3A_290 = vector.extract_strided_slice %select_n3A_250 {offsets = [96, 0], sizes = [32, 256], strides = [1, 1]} : vector<512x256xf32> to vector<32x256xf32>
    %jit3A_291 = arith.constant 0.000000e+00 : f32
    %broadcast_in_dim3A_292 = vector.shape_cast %broadcast_in_dim3A_289 : vector<1x256xi1> to vector<1x256xi1>
    %broadcast_in_dim3A_293 = vector.broadcast %broadcast_in_dim3A_292 : vector<1x256xi1> to vector<32x256xi1>
    %broadcast_in_dim3A_294 = vector.broadcast %jit3A_291 : f32 to vector<32x256xf32>
    %select_n3A_295 = arith.select %broadcast_in_dim3A_293, %slice3A_290, %broadcast_in_dim3A_294 : vector<32x256xi1>, vector<32x256xf32>
    %add3A_296 = arith.addf %add3A_285, %select_n3A_295 : vector<32x256xf32>
    %eq3A_297 = arith.constant 4 : i32
    %eq3A_298 = vector.broadcast %eq3A_297 : i32 to vector<256xi32>
    %eq3A_299 = arith.cmpi eq, %argmax3A, %eq3A_298 : vector<256xi32>
    %broadcast_in_dim3A_300 = vector.shape_cast %eq3A_299 : vector<256xi1> to vector<1x256xi1>
    %slice3A_301 = vector.extract_strided_slice %select_n3A_250 {offsets = [128, 0], sizes = [32, 256], strides = [1, 1]} : vector<512x256xf32> to vector<32x256xf32>
    %jit3A_302 = arith.constant 0.000000e+00 : f32
    %broadcast_in_dim3A_303 = vector.shape_cast %broadcast_in_dim3A_300 : vector<1x256xi1> to vector<1x256xi1>
    %broadcast_in_dim3A_304 = vector.broadcast %broadcast_in_dim3A_303 : vector<1x256xi1> to vector<32x256xi1>
    %broadcast_in_dim3A_305 = vector.broadcast %jit3A_302 : f32 to vector<32x256xf32>
    %select_n3A_306 = arith.select %broadcast_in_dim3A_304, %slice3A_301, %broadcast_in_dim3A_305 : vector<32x256xi1>, vector<32x256xf32>
    %add3A_307 = arith.addf %add3A_296, %select_n3A_306 : vector<32x256xf32>
    %eq3A_308 = arith.constant 5 : i32
    %eq3A_309 = vector.broadcast %eq3A_308 : i32 to vector<256xi32>
    %eq3A_310 = arith.cmpi eq, %argmax3A, %eq3A_309 : vector<256xi32>
    %broadcast_in_dim3A_311 = vector.shape_cast %eq3A_310 : vector<256xi1> to vector<1x256xi1>
    %slice3A_312 = vector.extract_strided_slice %select_n3A_250 {offsets = [160, 0], sizes = [32, 256], strides = [1, 1]} : vector<512x256xf32> to vector<32x256xf32>
    %jit3A_313 = arith.constant 0.000000e+00 : f32
    %broadcast_in_dim3A_314 = vector.shape_cast %broadcast_in_dim3A_311 : vector<1x256xi1> to vector<1x256xi1>
    %broadcast_in_dim3A_315 = vector.broadcast %broadcast_in_dim3A_314 : vector<1x256xi1> to vector<32x256xi1>
    %broadcast_in_dim3A_316 = vector.broadcast %jit3A_313 : f32 to vector<32x256xf32>
    %select_n3A_317 = arith.select %broadcast_in_dim3A_315, %slice3A_312, %broadcast_in_dim3A_316 : vector<32x256xi1>, vector<32x256xf32>
    %add3A_318 = arith.addf %add3A_307, %select_n3A_317 : vector<32x256xf32>
    %eq3A_319 = arith.constant 6 : i32
    %eq3A_320 = vector.broadcast %eq3A_319 : i32 to vector<256xi32>
    %eq3A_321 = arith.cmpi eq, %argmax3A, %eq3A_320 : vector<256xi32>
    %broadcast_in_dim3A_322 = vector.shape_cast %eq3A_321 : vector<256xi1> to vector<1x256xi1>
    %slice3A_323 = vector.extract_strided_slice %select_n3A_250 {offsets = [192, 0], sizes = [32, 256], strides = [1, 1]} : vector<512x256xf32> to vector<32x256xf32>
    %jit3A_324 = arith.constant 0.000000e+00 : f32
    %broadcast_in_dim3A_325 = vector.shape_cast %broadcast_in_dim3A_322 : vector<1x256xi1> to vector<1x256xi1>
    %broadcast_in_dim3A_326 = vector.broadcast %broadcast_in_dim3A_325 : vector<1x256xi1> to vector<32x256xi1>
    %broadcast_in_dim3A_327 = vector.broadcast %jit3A_324 : f32 to vector<32x256xf32>
    %select_n3A_328 = arith.select %broadcast_in_dim3A_326, %slice3A_323, %broadcast_in_dim3A_327 : vector<32x256xi1>, vector<32x256xf32>
    %add3A_329 = arith.addf %add3A_318, %select_n3A_328 : vector<32x256xf32>
    %eq3A_330 = arith.constant 7 : i32
    %eq3A_331 = vector.broadcast %eq3A_330 : i32 to vector<256xi32>
    %eq3A_332 = arith.cmpi eq, %argmax3A, %eq3A_331 : vector<256xi32>
    %broadcast_in_dim3A_333 = vector.shape_cast %eq3A_332 : vector<256xi1> to vector<1x256xi1>
    %slice3A_334 = vector.extract_strided_slice %select_n3A_250 {offsets = [224, 0], sizes = [32, 256], strides = [1, 1]} : vector<512x256xf32> to vector<32x256xf32>
    %jit3A_335 = arith.constant 0.000000e+00 : f32
    %broadcast_in_dim3A_336 = vector.shape_cast %broadcast_in_dim3A_333 : vector<1x256xi1> to vector<1x256xi1>
    %broadcast_in_dim3A_337 = vector.broadcast %broadcast_in_dim3A_336 : vector<1x256xi1> to vector<32x256xi1>
    %broadcast_in_dim3A_338 = vector.broadcast %jit3A_335 : f32 to vector<32x256xf32>
    %select_n3A_339 = arith.select %broadcast_in_dim3A_337, %slice3A_334, %broadcast_in_dim3A_338 : vector<32x256xi1>, vector<32x256xf32>
    %add3A_340 = arith.addf %add3A_329, %select_n3A_339 : vector<32x256xf32>
    %eq3A_341 = arith.constant 8 : i32
    %eq3A_342 = vector.broadcast %eq3A_341 : i32 to vector<256xi32>
    %eq3A_343 = arith.cmpi eq, %argmax3A, %eq3A_342 : vector<256xi32>
    %broadcast_in_dim3A_344 = vector.shape_cast %eq3A_343 : vector<256xi1> to vector<1x256xi1>
    %slice3A_345 = vector.extract_strided_slice %select_n3A_250 {offsets = [256, 0], sizes = [32, 256], strides = [1, 1]} : vector<512x256xf32> to vector<32x256xf32>
    %jit3A_346 = arith.constant 0.000000e+00 : f32
    %broadcast_in_dim3A_347 = vector.shape_cast %broadcast_in_dim3A_344 : vector<1x256xi1> to vector<1x256xi1>
    %broadcast_in_dim3A_348 = vector.broadcast %broadcast_in_dim3A_347 : vector<1x256xi1> to vector<32x256xi1>
    %broadcast_in_dim3A_349 = vector.broadcast %jit3A_346 : f32 to vector<32x256xf32>
    %select_n3A_350 = arith.select %broadcast_in_dim3A_348, %slice3A_345, %broadcast_in_dim3A_349 : vector<32x256xi1>, vector<32x256xf32>
    %add3A_351 = arith.addf %add3A_340, %select_n3A_350 : vector<32x256xf32>
    %eq3A_352 = arith.constant 9 : i32
    %eq3A_353 = vector.broadcast %eq3A_352 : i32 to vector<256xi32>
    %eq3A_354 = arith.cmpi eq, %argmax3A, %eq3A_353 : vector<256xi32>
    %broadcast_in_dim3A_355 = vector.shape_cast %eq3A_354 : vector<256xi1> to vector<1x256xi1>
    %slice3A_356 = vector.extract_strided_slice %select_n3A_250 {offsets = [288, 0], sizes = [32, 256], strides = [1, 1]} : vector<512x256xf32> to vector<32x256xf32>
    %jit3A_357 = arith.constant 0.000000e+00 : f32
    %broadcast_in_dim3A_358 = vector.shape_cast %broadcast_in_dim3A_355 : vector<1x256xi1> to vector<1x256xi1>
    %broadcast_in_dim3A_359 = vector.broadcast %broadcast_in_dim3A_358 : vector<1x256xi1> to vector<32x256xi1>
    %broadcast_in_dim3A_360 = vector.broadcast %jit3A_357 : f32 to vector<32x256xf32>
    %select_n3A_361 = arith.select %broadcast_in_dim3A_359, %slice3A_356, %broadcast_in_dim3A_360 : vector<32x256xi1>, vector<32x256xf32>
    %add3A_362 = arith.addf %add3A_351, %select_n3A_361 : vector<32x256xf32>
    %eq3A_363 = arith.constant 10 : i32
    %eq3A_364 = vector.broadcast %eq3A_363 : i32 to vector<256xi32>
    %eq3A_365 = arith.cmpi eq, %argmax3A, %eq3A_364 : vector<256xi32>
    %broadcast_in_dim3A_366 = vector.shape_cast %eq3A_365 : vector<256xi1> to vector<1x256xi1>
    %slice3A_367 = vector.extract_strided_slice %select_n3A_250 {offsets = [320, 0], sizes = [32, 256], strides = [1, 1]} : vector<512x256xf32> to vector<32x256xf32>
    %jit3A_368 = arith.constant 0.000000e+00 : f32
    %broadcast_in_dim3A_369 = vector.shape_cast %broadcast_in_dim3A_366 : vector<1x256xi1> to vector<1x256xi1>
    %broadcast_in_dim3A_370 = vector.broadcast %broadcast_in_dim3A_369 : vector<1x256xi1> to vector<32x256xi1>
    %broadcast_in_dim3A_371 = vector.broadcast %jit3A_368 : f32 to vector<32x256xf32>
    %select_n3A_372 = arith.select %broadcast_in_dim3A_370, %slice3A_367, %broadcast_in_dim3A_371 : vector<32x256xi1>, vector<32x256xf32>
    %add3A_373 = arith.addf %add3A_362, %select_n3A_372 : vector<32x256xf32>
    %eq3A_374 = arith.constant 11 : i32
    %eq3A_375 = vector.broadcast %eq3A_374 : i32 to vector<256xi32>
    %eq3A_376 = arith.cmpi eq, %argmax3A, %eq3A_375 : vector<256xi32>
    %broadcast_in_dim3A_377 = vector.shape_cast %eq3A_376 : vector<256xi1> to vector<1x256xi1>
    %slice3A_378 = vector.extract_strided_slice %select_n3A_250 {offsets = [352, 0], sizes = [32, 256], strides = [1, 1]} : vector<512x256xf32> to vector<32x256xf32>
    %jit3A_379 = arith.constant 0.000000e+00 : f32
    %broadcast_in_dim3A_380 = vector.shape_cast %broadcast_in_dim3A_377 : vector<1x256xi1> to vector<1x256xi1>
    %broadcast_in_dim3A_381 = vector.broadcast %broadcast_in_dim3A_380 : vector<1x256xi1> to vector<32x256xi1>
    %broadcast_in_dim3A_382 = vector.broadcast %jit3A_379 : f32 to vector<32x256xf32>
    %select_n3A_383 = arith.select %broadcast_in_dim3A_381, %slice3A_378, %broadcast_in_dim3A_382 : vector<32x256xi1>, vector<32x256xf32>
    %add3A_384 = arith.addf %add3A_373, %select_n3A_383 : vector<32x256xf32>
    %eq3A_385 = arith.constant 12 : i32
    %eq3A_386 = vector.broadcast %eq3A_385 : i32 to vector<256xi32>
    %eq3A_387 = arith.cmpi eq, %argmax3A, %eq3A_386 : vector<256xi32>
    %broadcast_in_dim3A_388 = vector.shape_cast %eq3A_387 : vector<256xi1> to vector<1x256xi1>
    %slice3A_389 = vector.extract_strided_slice %select_n3A_250 {offsets = [384, 0], sizes = [32, 256], strides = [1, 1]} : vector<512x256xf32> to vector<32x256xf32>
    %jit3A_390 = arith.constant 0.000000e+00 : f32
    %broadcast_in_dim3A_391 = vector.shape_cast %broadcast_in_dim3A_388 : vector<1x256xi1> to vector<1x256xi1>
    %broadcast_in_dim3A_392 = vector.broadcast %broadcast_in_dim3A_391 : vector<1x256xi1> to vector<32x256xi1>
    %broadcast_in_dim3A_393 = vector.broadcast %jit3A_390 : f32 to vector<32x256xf32>
    %select_n3A_394 = arith.select %broadcast_in_dim3A_392, %slice3A_389, %broadcast_in_dim3A_393 : vector<32x256xi1>, vector<32x256xf32>
    %add3A_395 = arith.addf %add3A_384, %select_n3A_394 : vector<32x256xf32>
    %eq3A_396 = arith.constant 13 : i32
    %eq3A_397 = vector.broadcast %eq3A_396 : i32 to vector<256xi32>
    %eq3A_398 = arith.cmpi eq, %argmax3A, %eq3A_397 : vector<256xi32>
    %broadcast_in_dim3A_399 = vector.shape_cast %eq3A_398 : vector<256xi1> to vector<1x256xi1>
    %slice3A_400 = vector.extract_strided_slice %select_n3A_250 {offsets = [416, 0], sizes = [32, 256], strides = [1, 1]} : vector<512x256xf32> to vector<32x256xf32>
    %jit3A_401 = arith.constant 0.000000e+00 : f32
    %broadcast_in_dim3A_402 = vector.shape_cast %broadcast_in_dim3A_399 : vector<1x256xi1> to vector<1x256xi1>
    %broadcast_in_dim3A_403 = vector.broadcast %broadcast_in_dim3A_402 : vector<1x256xi1> to vector<32x256xi1>
    %broadcast_in_dim3A_404 = vector.broadcast %jit3A_401 : f32 to vector<32x256xf32>
    %select_n3A_405 = arith.select %broadcast_in_dim3A_403, %slice3A_400, %broadcast_in_dim3A_404 : vector<32x256xi1>, vector<32x256xf32>
    %add3A_406 = arith.addf %add3A_395, %select_n3A_405 : vector<32x256xf32>
    %eq3A_407 = arith.constant 14 : i32
    %eq3A_408 = vector.broadcast %eq3A_407 : i32 to vector<256xi32>
    %eq3A_409 = arith.cmpi eq, %argmax3A, %eq3A_408 : vector<256xi32>
    %broadcast_in_dim3A_410 = vector.shape_cast %eq3A_409 : vector<256xi1> to vector<1x256xi1>
    %slice3A_411 = vector.extract_strided_slice %select_n3A_250 {offsets = [448, 0], sizes = [32, 256], strides = [1, 1]} : vector<512x256xf32> to vector<32x256xf32>
    %jit3A_412 = arith.constant 0.000000e+00 : f32
    %broadcast_in_dim3A_413 = vector.shape_cast %broadcast_in_dim3A_410 : vector<1x256xi1> to vector<1x256xi1>
    %broadcast_in_dim3A_414 = vector.broadcast %broadcast_in_dim3A_413 : vector<1x256xi1> to vector<32x256xi1>
    %broadcast_in_dim3A_415 = vector.broadcast %jit3A_412 : f32 to vector<32x256xf32>
    %select_n3A_416 = arith.select %broadcast_in_dim3A_414, %slice3A_411, %broadcast_in_dim3A_415 : vector<32x256xi1>, vector<32x256xf32>
    %add3A_417 = arith.addf %add3A_406, %select_n3A_416 : vector<32x256xf32>
    %eq3A_418 = arith.constant 15 : i32
    %eq3A_419 = vector.broadcast %eq3A_418 : i32 to vector<256xi32>
    %eq3A_420 = arith.cmpi eq, %argmax3A, %eq3A_419 : vector<256xi32>
    %broadcast_in_dim3A_421 = vector.shape_cast %eq3A_420 : vector<256xi1> to vector<1x256xi1>
    %slice3A_422 = vector.extract_strided_slice %select_n3A_250 {offsets = [480, 0], sizes = [32, 256], strides = [1, 1]} : vector<512x256xf32> to vector<32x256xf32>
    %jit3A_423 = arith.constant 0.000000e+00 : f32
    %broadcast_in_dim3A_424 = vector.shape_cast %broadcast_in_dim3A_421 : vector<1x256xi1> to vector<1x256xi1>
    %broadcast_in_dim3A_425 = vector.broadcast %broadcast_in_dim3A_424 : vector<1x256xi1> to vector<32x256xi1>
    %broadcast_in_dim3A_426 = vector.broadcast %jit3A_423 : f32 to vector<32x256xf32>
    %select_n3A_427 = arith.select %broadcast_in_dim3A_425, %slice3A_422, %broadcast_in_dim3A_426 : vector<32x256xi1>, vector<32x256xf32>
    %add3A_428 = arith.addf %add3A_417, %select_n3A_427 : vector<32x256xf32>
    %get3A_429 = arith.constant 0 : index
    %get3A_430 = arith.constant 0 : index
    %get3A_431 = vector.load %arg12[%get3A_429, %get3A_430] : memref<512x32xf32, #tpu.memory_space<vmem>>, vector<512x32xf32>
    %dot_general3A_432 = arith.constant dense<0.000000e+00> : vector<512x256xf32>
    %dot_general3A_433 = tpu.matmul %get3A_431, %add3A_428, %dot_general3A_432 {dimension_numbers = #tpu.dot_dimension_numbers<[1], [0], [0], [1], [0, 0, 1, 1], [], []>, transpose_lhs_hint = false} : vector<512x32xf32>, vector<32x256xf32>, vector<512x256xf32> -> vector<512x256xf32>
    %get3A_434 = arith.constant 0 : index
    %get3A_435 = arith.constant 0 : index
    %get3A_436 = vector.load %arg13[%get3A_434, %get3A_435] : memref<512x1xf32, #tpu.memory_space<vmem>>, vector<512x1xf32>
    %add3A_437 = vector.broadcast %get3A_436 : vector<512x1xf32> to vector<512x256xf32>
    %add3A_438 = arith.addf %dot_general3A_433, %add3A_437 : vector<512x256xf32>
    %broadcast_in_dim3A_439 = arith.constant 0.000000e+00 : f32
    %broadcast_in_dim3A_440 = vector.broadcast %broadcast_in_dim3A_439 : f32 to vector<32x256xf32>
    %eq3A_441 = arith.constant 0 : i32
    %eq3A_442 = vector.broadcast %eq3A_441 : i32 to vector<256xi32>
    %eq3A_443 = arith.cmpi eq, %argmax3A, %eq3A_442 : vector<256xi32>
    %broadcast_in_dim3A_444 = vector.shape_cast %eq3A_443 : vector<256xi1> to vector<1x256xi1>
    %slice3A_445 = vector.extract_strided_slice %add3A_438 {offsets = [0, 0], sizes = [32, 256], strides = [1, 1]} : vector<512x256xf32> to vector<32x256xf32>
    %jit3A_446 = arith.constant 0.000000e+00 : f32
    %broadcast_in_dim3A_447 = vector.shape_cast %broadcast_in_dim3A_444 : vector<1x256xi1> to vector<1x256xi1>
    %broadcast_in_dim3A_448 = vector.broadcast %broadcast_in_dim3A_447 : vector<1x256xi1> to vector<32x256xi1>
    %broadcast_in_dim3A_449 = vector.broadcast %jit3A_446 : f32 to vector<32x256xf32>
    %select_n3A_450 = arith.select %broadcast_in_dim3A_448, %slice3A_445, %broadcast_in_dim3A_449 : vector<32x256xi1>, vector<32x256xf32>
    %add3A_451 = arith.addf %broadcast_in_dim3A_440, %select_n3A_450 : vector<32x256xf32>
    %eq3A_452 = arith.constant 1 : i32
    %eq3A_453 = vector.broadcast %eq3A_452 : i32 to vector<256xi32>
    %eq3A_454 = arith.cmpi eq, %argmax3A, %eq3A_453 : vector<256xi32>
    %broadcast_in_dim3A_455 = vector.shape_cast %eq3A_454 : vector<256xi1> to vector<1x256xi1>
    %slice3A_456 = vector.extract_strided_slice %add3A_438 {offsets = [32, 0], sizes = [32, 256], strides = [1, 1]} : vector<512x256xf32> to vector<32x256xf32>
    %jit3A_457 = arith.constant 0.000000e+00 : f32
    %broadcast_in_dim3A_458 = vector.shape_cast %broadcast_in_dim3A_455 : vector<1x256xi1> to vector<1x256xi1>
    %broadcast_in_dim3A_459 = vector.broadcast %broadcast_in_dim3A_458 : vector<1x256xi1> to vector<32x256xi1>
    %broadcast_in_dim3A_460 = vector.broadcast %jit3A_457 : f32 to vector<32x256xf32>
    %select_n3A_461 = arith.select %broadcast_in_dim3A_459, %slice3A_456, %broadcast_in_dim3A_460 : vector<32x256xi1>, vector<32x256xf32>
    %add3A_462 = arith.addf %add3A_451, %select_n3A_461 : vector<32x256xf32>
    %eq3A_463 = arith.constant 2 : i32
    %eq3A_464 = vector.broadcast %eq3A_463 : i32 to vector<256xi32>
    %eq3A_465 = arith.cmpi eq, %argmax3A, %eq3A_464 : vector<256xi32>
    %broadcast_in_dim3A_466 = vector.shape_cast %eq3A_465 : vector<256xi1> to vector<1x256xi1>
    %slice3A_467 = vector.extract_strided_slice %add3A_438 {offsets = [64, 0], sizes = [32, 256], strides = [1, 1]} : vector<512x256xf32> to vector<32x256xf32>
    %jit3A_468 = arith.constant 0.000000e+00 : f32
    %broadcast_in_dim3A_469 = vector.shape_cast %broadcast_in_dim3A_466 : vector<1x256xi1> to vector<1x256xi1>
    %broadcast_in_dim3A_470 = vector.broadcast %broadcast_in_dim3A_469 : vector<1x256xi1> to vector<32x256xi1>
    %broadcast_in_dim3A_471 = vector.broadcast %jit3A_468 : f32 to vector<32x256xf32>
    %select_n3A_472 = arith.select %broadcast_in_dim3A_470, %slice3A_467, %broadcast_in_dim3A_471 : vector<32x256xi1>, vector<32x256xf32>
    %add3A_473 = arith.addf %add3A_462, %select_n3A_472 : vector<32x256xf32>
    %eq3A_474 = arith.constant 3 : i32
    %eq3A_475 = vector.broadcast %eq3A_474 : i32 to vector<256xi32>
    %eq3A_476 = arith.cmpi eq, %argmax3A, %eq3A_475 : vector<256xi32>
    %broadcast_in_dim3A_477 = vector.shape_cast %eq3A_476 : vector<256xi1> to vector<1x256xi1>
    %slice3A_478 = vector.extract_strided_slice %add3A_438 {offsets = [96, 0], sizes = [32, 256], strides = [1, 1]} : vector<512x256xf32> to vector<32x256xf32>
    %jit3A_479 = arith.constant 0.000000e+00 : f32
    %broadcast_in_dim3A_480 = vector.shape_cast %broadcast_in_dim3A_477 : vector<1x256xi1> to vector<1x256xi1>
    %broadcast_in_dim3A_481 = vector.broadcast %broadcast_in_dim3A_480 : vector<1x256xi1> to vector<32x256xi1>
    %broadcast_in_dim3A_482 = vector.broadcast %jit3A_479 : f32 to vector<32x256xf32>
    %select_n3A_483 = arith.select %broadcast_in_dim3A_481, %slice3A_478, %broadcast_in_dim3A_482 : vector<32x256xi1>, vector<32x256xf32>
    %add3A_484 = arith.addf %add3A_473, %select_n3A_483 : vector<32x256xf32>
    %eq3A_485 = arith.constant 4 : i32
    %eq3A_486 = vector.broadcast %eq3A_485 : i32 to vector<256xi32>
    %eq3A_487 = arith.cmpi eq, %argmax3A, %eq3A_486 : vector<256xi32>
    %broadcast_in_dim3A_488 = vector.shape_cast %eq3A_487 : vector<256xi1> to vector<1x256xi1>
    %slice3A_489 = vector.extract_strided_slice %add3A_438 {offsets = [128, 0], sizes = [32, 256], strides = [1, 1]} : vector<512x256xf32> to vector<32x256xf32>
    %jit3A_490 = arith.constant 0.000000e+00 : f32
    %broadcast_in_dim3A_491 = vector.shape_cast %broadcast_in_dim3A_488 : vector<1x256xi1> to vector<1x256xi1>
    %broadcast_in_dim3A_492 = vector.broadcast %broadcast_in_dim3A_491 : vector<1x256xi1> to vector<32x256xi1>
    %broadcast_in_dim3A_493 = vector.broadcast %jit3A_490 : f32 to vector<32x256xf32>
    %select_n3A_494 = arith.select %broadcast_in_dim3A_492, %slice3A_489, %broadcast_in_dim3A_493 : vector<32x256xi1>, vector<32x256xf32>
    %add3A_495 = arith.addf %add3A_484, %select_n3A_494 : vector<32x256xf32>
    %eq3A_496 = arith.constant 5 : i32
    %eq3A_497 = vector.broadcast %eq3A_496 : i32 to vector<256xi32>
    %eq3A_498 = arith.cmpi eq, %argmax3A, %eq3A_497 : vector<256xi32>
    %broadcast_in_dim3A_499 = vector.shape_cast %eq3A_498 : vector<256xi1> to vector<1x256xi1>
    %slice3A_500 = vector.extract_strided_slice %add3A_438 {offsets = [160, 0], sizes = [32, 256], strides = [1, 1]} : vector<512x256xf32> to vector<32x256xf32>
    %jit3A_501 = arith.constant 0.000000e+00 : f32
    %broadcast_in_dim3A_502 = vector.shape_cast %broadcast_in_dim3A_499 : vector<1x256xi1> to vector<1x256xi1>
    %broadcast_in_dim3A_503 = vector.broadcast %broadcast_in_dim3A_502 : vector<1x256xi1> to vector<32x256xi1>
    %broadcast_in_dim3A_504 = vector.broadcast %jit3A_501 : f32 to vector<32x256xf32>
    %select_n3A_505 = arith.select %broadcast_in_dim3A_503, %slice3A_500, %broadcast_in_dim3A_504 : vector<32x256xi1>, vector<32x256xf32>
    %add3A_506 = arith.addf %add3A_495, %select_n3A_505 : vector<32x256xf32>
    %eq3A_507 = arith.constant 6 : i32
    %eq3A_508 = vector.broadcast %eq3A_507 : i32 to vector<256xi32>
    %eq3A_509 = arith.cmpi eq, %argmax3A, %eq3A_508 : vector<256xi32>
    %broadcast_in_dim3A_510 = vector.shape_cast %eq3A_509 : vector<256xi1> to vector<1x256xi1>
    %slice3A_511 = vector.extract_strided_slice %add3A_438 {offsets = [192, 0], sizes = [32, 256], strides = [1, 1]} : vector<512x256xf32> to vector<32x256xf32>
    %jit3A_512 = arith.constant 0.000000e+00 : f32
    %broadcast_in_dim3A_513 = vector.shape_cast %broadcast_in_dim3A_510 : vector<1x256xi1> to vector<1x256xi1>
    %broadcast_in_dim3A_514 = vector.broadcast %broadcast_in_dim3A_513 : vector<1x256xi1> to vector<32x256xi1>
    %broadcast_in_dim3A_515 = vector.broadcast %jit3A_512 : f32 to vector<32x256xf32>
    %select_n3A_516 = arith.select %broadcast_in_dim3A_514, %slice3A_511, %broadcast_in_dim3A_515 : vector<32x256xi1>, vector<32x256xf32>
    %add3A_517 = arith.addf %add3A_506, %select_n3A_516 : vector<32x256xf32>
    %eq3A_518 = arith.constant 7 : i32
    %eq3A_519 = vector.broadcast %eq3A_518 : i32 to vector<256xi32>
    %eq3A_520 = arith.cmpi eq, %argmax3A, %eq3A_519 : vector<256xi32>
    %broadcast_in_dim3A_521 = vector.shape_cast %eq3A_520 : vector<256xi1> to vector<1x256xi1>
    %slice3A_522 = vector.extract_strided_slice %add3A_438 {offsets = [224, 0], sizes = [32, 256], strides = [1, 1]} : vector<512x256xf32> to vector<32x256xf32>
    %jit3A_523 = arith.constant 0.000000e+00 : f32
    %broadcast_in_dim3A_524 = vector.shape_cast %broadcast_in_dim3A_521 : vector<1x256xi1> to vector<1x256xi1>
    %broadcast_in_dim3A_525 = vector.broadcast %broadcast_in_dim3A_524 : vector<1x256xi1> to vector<32x256xi1>
    %broadcast_in_dim3A_526 = vector.broadcast %jit3A_523 : f32 to vector<32x256xf32>
    %select_n3A_527 = arith.select %broadcast_in_dim3A_525, %slice3A_522, %broadcast_in_dim3A_526 : vector<32x256xi1>, vector<32x256xf32>
    %add3A_528 = arith.addf %add3A_517, %select_n3A_527 : vector<32x256xf32>
    %eq3A_529 = arith.constant 8 : i32
    %eq3A_530 = vector.broadcast %eq3A_529 : i32 to vector<256xi32>
    %eq3A_531 = arith.cmpi eq, %argmax3A, %eq3A_530 : vector<256xi32>
    %broadcast_in_dim3A_532 = vector.shape_cast %eq3A_531 : vector<256xi1> to vector<1x256xi1>
    %slice3A_533 = vector.extract_strided_slice %add3A_438 {offsets = [256, 0], sizes = [32, 256], strides = [1, 1]} : vector<512x256xf32> to vector<32x256xf32>
    %jit3A_534 = arith.constant 0.000000e+00 : f32
    %broadcast_in_dim3A_535 = vector.shape_cast %broadcast_in_dim3A_532 : vector<1x256xi1> to vector<1x256xi1>
    %broadcast_in_dim3A_536 = vector.broadcast %broadcast_in_dim3A_535 : vector<1x256xi1> to vector<32x256xi1>
    %broadcast_in_dim3A_537 = vector.broadcast %jit3A_534 : f32 to vector<32x256xf32>
    %select_n3A_538 = arith.select %broadcast_in_dim3A_536, %slice3A_533, %broadcast_in_dim3A_537 : vector<32x256xi1>, vector<32x256xf32>
    %add3A_539 = arith.addf %add3A_528, %select_n3A_538 : vector<32x256xf32>
    %eq3A_540 = arith.constant 9 : i32
    %eq3A_541 = vector.broadcast %eq3A_540 : i32 to vector<256xi32>
    %eq3A_542 = arith.cmpi eq, %argmax3A, %eq3A_541 : vector<256xi32>
    %broadcast_in_dim3A_543 = vector.shape_cast %eq3A_542 : vector<256xi1> to vector<1x256xi1>
    %slice3A_544 = vector.extract_strided_slice %add3A_438 {offsets = [288, 0], sizes = [32, 256], strides = [1, 1]} : vector<512x256xf32> to vector<32x256xf32>
    %jit3A_545 = arith.constant 0.000000e+00 : f32
    %broadcast_in_dim3A_546 = vector.shape_cast %broadcast_in_dim3A_543 : vector<1x256xi1> to vector<1x256xi1>
    %broadcast_in_dim3A_547 = vector.broadcast %broadcast_in_dim3A_546 : vector<1x256xi1> to vector<32x256xi1>
    %broadcast_in_dim3A_548 = vector.broadcast %jit3A_545 : f32 to vector<32x256xf32>
    %select_n3A_549 = arith.select %broadcast_in_dim3A_547, %slice3A_544, %broadcast_in_dim3A_548 : vector<32x256xi1>, vector<32x256xf32>
    %add3A_550 = arith.addf %add3A_539, %select_n3A_549 : vector<32x256xf32>
    %eq3A_551 = arith.constant 10 : i32
    %eq3A_552 = vector.broadcast %eq3A_551 : i32 to vector<256xi32>
    %eq3A_553 = arith.cmpi eq, %argmax3A, %eq3A_552 : vector<256xi32>
    %broadcast_in_dim3A_554 = vector.shape_cast %eq3A_553 : vector<256xi1> to vector<1x256xi1>
    %slice3A_555 = vector.extract_strided_slice %add3A_438 {offsets = [320, 0], sizes = [32, 256], strides = [1, 1]} : vector<512x256xf32> to vector<32x256xf32>
    %jit3A_556 = arith.constant 0.000000e+00 : f32
    %broadcast_in_dim3A_557 = vector.shape_cast %broadcast_in_dim3A_554 : vector<1x256xi1> to vector<1x256xi1>
    %broadcast_in_dim3A_558 = vector.broadcast %broadcast_in_dim3A_557 : vector<1x256xi1> to vector<32x256xi1>
    %broadcast_in_dim3A_559 = vector.broadcast %jit3A_556 : f32 to vector<32x256xf32>
    %select_n3A_560 = arith.select %broadcast_in_dim3A_558, %slice3A_555, %broadcast_in_dim3A_559 : vector<32x256xi1>, vector<32x256xf32>
    %add3A_561 = arith.addf %add3A_550, %select_n3A_560 : vector<32x256xf32>
    %eq3A_562 = arith.constant 11 : i32
    %eq3A_563 = vector.broadcast %eq3A_562 : i32 to vector<256xi32>
    %eq3A_564 = arith.cmpi eq, %argmax3A, %eq3A_563 : vector<256xi32>
    %broadcast_in_dim3A_565 = vector.shape_cast %eq3A_564 : vector<256xi1> to vector<1x256xi1>
    %slice3A_566 = vector.extract_strided_slice %add3A_438 {offsets = [352, 0], sizes = [32, 256], strides = [1, 1]} : vector<512x256xf32> to vector<32x256xf32>
    %jit3A_567 = arith.constant 0.000000e+00 : f32
    %broadcast_in_dim3A_568 = vector.shape_cast %broadcast_in_dim3A_565 : vector<1x256xi1> to vector<1x256xi1>
    %broadcast_in_dim3A_569 = vector.broadcast %broadcast_in_dim3A_568 : vector<1x256xi1> to vector<32x256xi1>
    %broadcast_in_dim3A_570 = vector.broadcast %jit3A_567 : f32 to vector<32x256xf32>
    %select_n3A_571 = arith.select %broadcast_in_dim3A_569, %slice3A_566, %broadcast_in_dim3A_570 : vector<32x256xi1>, vector<32x256xf32>
    %add3A_572 = arith.addf %add3A_561, %select_n3A_571 : vector<32x256xf32>
    %eq3A_573 = arith.constant 12 : i32
    %eq3A_574 = vector.broadcast %eq3A_573 : i32 to vector<256xi32>
    %eq3A_575 = arith.cmpi eq, %argmax3A, %eq3A_574 : vector<256xi32>
    %broadcast_in_dim3A_576 = vector.shape_cast %eq3A_575 : vector<256xi1> to vector<1x256xi1>
    %slice3A_577 = vector.extract_strided_slice %add3A_438 {offsets = [384, 0], sizes = [32, 256], strides = [1, 1]} : vector<512x256xf32> to vector<32x256xf32>
    %jit3A_578 = arith.constant 0.000000e+00 : f32
    %broadcast_in_dim3A_579 = vector.shape_cast %broadcast_in_dim3A_576 : vector<1x256xi1> to vector<1x256xi1>
    %broadcast_in_dim3A_580 = vector.broadcast %broadcast_in_dim3A_579 : vector<1x256xi1> to vector<32x256xi1>
    %broadcast_in_dim3A_581 = vector.broadcast %jit3A_578 : f32 to vector<32x256xf32>
    %select_n3A_582 = arith.select %broadcast_in_dim3A_580, %slice3A_577, %broadcast_in_dim3A_581 : vector<32x256xi1>, vector<32x256xf32>
    %add3A_583 = arith.addf %add3A_572, %select_n3A_582 : vector<32x256xf32>
    %eq3A_584 = arith.constant 13 : i32
    %eq3A_585 = vector.broadcast %eq3A_584 : i32 to vector<256xi32>
    %eq3A_586 = arith.cmpi eq, %argmax3A, %eq3A_585 : vector<256xi32>
    %broadcast_in_dim3A_587 = vector.shape_cast %eq3A_586 : vector<256xi1> to vector<1x256xi1>
    %slice3A_588 = vector.extract_strided_slice %add3A_438 {offsets = [416, 0], sizes = [32, 256], strides = [1, 1]} : vector<512x256xf32> to vector<32x256xf32>
    %jit3A_589 = arith.constant 0.000000e+00 : f32
    %broadcast_in_dim3A_590 = vector.shape_cast %broadcast_in_dim3A_587 : vector<1x256xi1> to vector<1x256xi1>
    %broadcast_in_dim3A_591 = vector.broadcast %broadcast_in_dim3A_590 : vector<1x256xi1> to vector<32x256xi1>
    %broadcast_in_dim3A_592 = vector.broadcast %jit3A_589 : f32 to vector<32x256xf32>
    %select_n3A_593 = arith.select %broadcast_in_dim3A_591, %slice3A_588, %broadcast_in_dim3A_592 : vector<32x256xi1>, vector<32x256xf32>
    %add3A_594 = arith.addf %add3A_583, %select_n3A_593 : vector<32x256xf32>
    %eq3A_595 = arith.constant 14 : i32
    %eq3A_596 = vector.broadcast %eq3A_595 : i32 to vector<256xi32>
    %eq3A_597 = arith.cmpi eq, %argmax3A, %eq3A_596 : vector<256xi32>
    %broadcast_in_dim3A_598 = vector.shape_cast %eq3A_597 : vector<256xi1> to vector<1x256xi1>
    %slice3A_599 = vector.extract_strided_slice %add3A_438 {offsets = [448, 0], sizes = [32, 256], strides = [1, 1]} : vector<512x256xf32> to vector<32x256xf32>
    %jit3A_600 = arith.constant 0.000000e+00 : f32
    %broadcast_in_dim3A_601 = vector.shape_cast %broadcast_in_dim3A_598 : vector<1x256xi1> to vector<1x256xi1>
    %broadcast_in_dim3A_602 = vector.broadcast %broadcast_in_dim3A_601 : vector<1x256xi1> to vector<32x256xi1>
    %broadcast_in_dim3A_603 = vector.broadcast %jit3A_600 : f32 to vector<32x256xf32>
    %select_n3A_604 = arith.select %broadcast_in_dim3A_602, %slice3A_599, %broadcast_in_dim3A_603 : vector<32x256xi1>, vector<32x256xf32>
    %add3A_605 = arith.addf %add3A_594, %select_n3A_604 : vector<32x256xf32>
    %eq3A_606 = arith.constant 15 : i32
    %eq3A_607 = vector.broadcast %eq3A_606 : i32 to vector<256xi32>
    %eq3A_608 = arith.cmpi eq, %argmax3A, %eq3A_607 : vector<256xi32>
    %broadcast_in_dim3A_609 = vector.shape_cast %eq3A_608 : vector<256xi1> to vector<1x256xi1>
    %slice3A_610 = vector.extract_strided_slice %add3A_438 {offsets = [480, 0], sizes = [32, 256], strides = [1, 1]} : vector<512x256xf32> to vector<32x256xf32>
    %jit3A_611 = arith.constant 0.000000e+00 : f32
    %broadcast_in_dim3A_612 = vector.shape_cast %broadcast_in_dim3A_609 : vector<1x256xi1> to vector<1x256xi1>
    %broadcast_in_dim3A_613 = vector.broadcast %broadcast_in_dim3A_612 : vector<1x256xi1> to vector<32x256xi1>
    %broadcast_in_dim3A_614 = vector.broadcast %jit3A_611 : f32 to vector<32x256xf32>
    %select_n3A_615 = arith.select %broadcast_in_dim3A_613, %slice3A_610, %broadcast_in_dim3A_614 : vector<32x256xi1>, vector<32x256xf32>
    %add3A_616 = arith.addf %add3A_605, %select_n3A_615 : vector<32x256xf32>
    %argmax3A_617 = tpu.reduce_index %add3A_616 {axis = 0 : i32, kind = #tpu.reduction_kind<arg_max>} : vector<32x256xf32> -> vector<256xi32>
    %mul3A_618 = arith.constant 16 : i32
    %mul3A_619 = vector.broadcast %mul3A_618 : i32 to vector<256xi32>
    %mul3A_620 = arith.muli %argmax3A, %mul3A_619 : vector<256xi32>
    %sub3A = arith.constant 8 : i32
    %sub3A_621 = vector.broadcast %sub3A : i32 to vector<256xi32>
    %sub3A_622 = arith.subi %argmax3A_617, %sub3A_621 : vector<256xi32>
    %add3A_623 = arith.addi %mul3A_620, %sub3A_622 : vector<256xi32>
    %jit3A_624 = arith.constant 0 : i32
    %jit3A_625 = arith.constant 255 : i32
    %max3A = vector.broadcast %jit3A_624 : i32 to vector<256xi32>
    %max3A_626 = arith.maxsi %max3A, %add3A_623 : vector<256xi32>
    %min3A = vector.broadcast %jit3A_625 : i32 to vector<256xi32>
    %min3A_627 = arith.minsi %min3A, %max3A_626 : vector<256xi32>
    %swap3A = arith.constant 0 : index
    %swap3A_628 = arith.constant 0 : index
    %swap3A_629 = arith.constant 0 : index
    %swap3A_630 = vector.load %arg15[%swap3A, %swap3A_628, %swap3A_629] : memref<1x1x256xi32, #tpu.memory_space<vmem>>, vector<1x1x256xi32>
    %swap3A_631 = vector.shape_cast %swap3A_630 : vector<1x1x256xi32> to vector<256xi32>
    %swap3A_632 = vector.shape_cast %min3A_627 : vector<256xi32> to vector<1x1x256xi32>
    tpu.vector_store %arg15[%swap3A, %swap3A_628, %swap3A_629], %swap3A_632 {strides = array<i32>} : memref<1x1x256xi32, #tpu.memory_space<vmem>>, vector<1x1x256xi32>,
    %transpose3A = tpu.transpose %get3A_3, [1, 0] : vector<128x256xf32> -> vector<256x128xf32>
    %swap3A_633 = arith.constant 0 : index
    %swap3A_634 = arith.constant 0 : index
    %swap3A_635 = vector.load %arg16[%swap3A_633, %swap3A_634] : memref<256x128xf32, #tpu.memory_space<vmem>>, vector<256x128xf32>
    tpu.vector_store %arg16[%swap3A_633, %swap3A_634], %transpose3A {strides = array<i32>} : memref<256x128xf32, #tpu.memory_space<vmem>>, vector<256x128xf32>,
    %eq3A_636 = arith.constant 0 : i32
    %eq3A_637 = arith.cmpi eq, %arg0, %eq3A_636 : i32
    %convert_element_type3A = arith.extui %eq3A_637 : i1 to i32
    %cond3A = arith.constant 0 : i32
    %cond3A_638 = arith.cmpi ne, %convert_element_type3A, %cond3A : i32
    scf.if %cond3A_638 {
      %broadcast_in_dim3A_678 = arith.constant 0.000000e+00 : f32
      %broadcast_in_dim3A_679 = vector.broadcast %broadcast_in_dim3A_678 : f32 to vector<256x1xf32>
      %swap3A_680 = arith.constant 0 : index
      %swap3A_681 = arith.constant 0 : index
      %swap3A_682 = vector.load %arg19[%swap3A_680, %swap3A_681] : memref<256x1xf32, #tpu.memory_space<vmem>>, vector<256x1xf32>
      tpu.vector_store %arg19[%swap3A_680, %swap3A_681], %broadcast_in_dim3A_679 {strides = array<i32>} : memref<256x1xf32, #tpu.memory_space<vmem>>, vector<256x1xf32>,
    } else {
    }
    %iota3A = tpu.iota {dimensions = array<i32: 0>} : vector<256x256xi32>
    %broadcast_in_dim3A_639 = vector.shape_cast %min3A_627 : vector<256xi32> to vector<1x256xi32>
    %eq3A_640 = vector.broadcast %broadcast_in_dim3A_639 : vector<1x256xi32> to vector<256x256xi32>
    %eq3A_641 = arith.cmpi eq, %iota3A, %eq3A_640 : vector<256x256xi32>
    %convert_element_type3A_642 = arith.extui %eq3A_641 : vector<256x256xi1> to vector<256x256xi32>
    %convert_element_type3A_643 = arith.sitofp %convert_element_type3A_642 : vector<256x256xi32> to vector<256x256xf32>
    %get3A_644 = arith.constant 0 : index
    %get3A_645 = arith.constant 0 : index
    %get3A_646 = vector.load %arg14[%get3A_644, %get3A_645] : memref<256x256xf32, #tpu.memory_space<vmem>>, vector<256x256xf32>
    %dot_general3A_647 = arith.constant dense<0.000000e+00> : vector<256x256xf32>
    %dot_general3A_648 = tpu.matmul %convert_element_type3A_643, %get3A_646, %dot_general3A_647 {dimension_numbers = #tpu.dot_dimension_numbers<[1], [0], [0], [1], [0, 0, 1, 1], [], []>, transpose_lhs_hint = false} : vector<256x256xf32>, vector<256x256xf32>, vector<256x256xf32> -> vector<256x256xf32>
    %get3A_649 = arith.constant 0 : index
    %get3A_650 = arith.constant 0 : index
    %get3A_651 = vector.load %arg19[%get3A_649, %get3A_650] : memref<256x1xf32, #tpu.memory_space<vmem>>, vector<256x1xf32>
    %add3A_652 = vector.broadcast %get3A_651 : vector<256x1xf32> to vector<256x256xf32>
    %add3A_653 = arith.addf %dot_general3A_648, %add3A_652 : vector<256x256xf32>
    %mul3A_654 = arith.mulf %add3A_653, %convert_element_type3A_643 : vector<256x256xf32>
    %reduce_sum3A = arith.constant dense<0.000000e+00> : vector<256xf32>
    %reduce_sum3A_655 = vector.multi_reduction <add>, %mul3A_654, %reduce_sum3A [0] : vector<256x256xf32> to vector<256xf32>
    %sub3A_656 = arith.constant 1.000000e+00 : f32
    %sub3A_657 = vector.broadcast %sub3A_656 : f32 to vector<256xf32>
    %sub3A_658 = arith.subf %reduce_sum3A_655, %sub3A_657 : vector<256xf32>
    %convert_element_type3A_659 = arith.fptosi %sub3A_658 : vector<256xf32> to vector<256xi32>
    %swap3A_660 = arith.constant 0 : index
    %swap3A_661 = arith.constant 0 : index
    %swap3A_662 = arith.constant 0 : index
    %swap3A_663 = vector.load %arg17[%swap3A_660, %swap3A_661, %swap3A_662] : memref<1x1x256xi32, #tpu.memory_space<vmem>>, vector<1x1x256xi32>
    %swap3A_664 = vector.shape_cast %swap3A_663 : vector<1x1x256xi32> to vector<256xi32>
    %swap3A_665 = vector.shape_cast %convert_element_type3A_659 : vector<256xi32> to vector<1x1x256xi32>
    tpu.vector_store %arg17[%swap3A_660, %swap3A_661, %swap3A_662], %swap3A_665 {strides = array<i32>} : memref<1x1x256xi32, #tpu.memory_space<vmem>>, vector<1x1x256xi32>,
    %slice3A_666 = vector.extract_strided_slice %dot_general3A_648 {offsets = [0, 255], sizes = [256, 1], strides = [1, 1]} : vector<256x256xf32> to vector<256x1xf32>
    %convert_element_type3A_667 = arith.fptosi %slice3A_666 : vector<256x1xf32> to vector<256x1xi32>
    %swap3A_668 = arith.constant 0 : index
    %swap3A_669 = arith.constant 0 : index
    %swap3A_670 = arith.constant 0 : index
    %swap3A_671 = vector.load %arg18[%swap3A_668, %swap3A_669, %swap3A_670] : memref<1x256x1xi32, #tpu.memory_space<vmem>>, vector<1x256x1xi32>
    %swap3A_672 = vector.shape_cast %swap3A_671 : vector<1x256x1xi32> to vector<256x1xi32>
    %swap3A_673 = vector.shape_cast %convert_element_type3A_667 : vector<256x1xi32> to vector<1x256x1xi32>
    tpu.vector_store %arg18[%swap3A_668, %swap3A_669, %swap3A_670], %swap3A_673 {strides = array<i32>} : memref<1x256x1xi32, #tpu.memory_space<vmem>>, vector<1x256x1xi32>,
    %add3A_674 = arith.addf %get3A_651, %slice3A_666 : vector<256x1xf32>
    %swap3A_675 = arith.constant 0 : index
    %swap3A_676 = arith.constant 0 : index
    %swap3A_677 = vector.load %arg19[%swap3A_675, %swap3A_676] : memref<256x1xf32, #tpu.memory_space<vmem>>, vector<256x1xf32>
    tpu.vector_store %arg19[%swap3A_675, %swap3A_676], %add3A_674 {strides = array<i32>} : memref<256x1xf32, #tpu.memory_space<vmem>>, vector<256x1xf32>,
    return
  }
  func.func @transform_0(%arg0: i32) -> (i32, i32, i32) {
    %jit3A = arith.constant 576 : i32
    %div3A = arith.divsi %arg0, %jit3A : i32
    %sign3A = arith.constant 0 : i32
    %sign3A_0 = arith.cmpi sgt, %arg0, %sign3A : i32
    %sign3A_1 = arith.extui %sign3A_0 : i1 to i32
    %sign3A_2 = arith.constant 0 : i32
    %sign3A_3 = arith.cmpi slt, %arg0, %sign3A_2 : i32
    %sign3A_4 = arith.extui %sign3A_3 : i1 to i32
    %sign3A_5 = arith.subi %sign3A_1, %sign3A_4 : i32
    %sign3A_6 = arith.constant 0 : i32
    %sign3A_7 = arith.cmpi sgt, %jit3A, %sign3A_6 : i32
    %sign3A_8 = arith.extui %sign3A_7 : i1 to i32
    %sign3A_9 = arith.constant 0 : i32
    %sign3A_10 = arith.cmpi slt, %jit3A, %sign3A_9 : i32
    %sign3A_11 = arith.extui %sign3A_10 : i1 to i32
    %sign3A_12 = arith.subi %sign3A_8, %sign3A_11 : i32
    %ne3A = arith.cmpi ne, %sign3A_5, %sign3A_12 : i32
    %rem3A = arith.remsi %arg0, %jit3A : i32
    %ne3A_13 = arith.constant 0 : i32
    %ne3A_14 = arith.cmpi ne, %rem3A, %ne3A_13 : i32
    %and3A = arith.andi %ne3A, %ne3A_14 : i1
    %sub3A = arith.constant 1 : i32
    %sub3A_15 = arith.subi %div3A, %sub3A : i32
    %select_n3A = arith.select %and3A, %sub3A_15, %div3A : i32
    %jit3A_16 = arith.constant 576 : i32
    %eq3A = arith.constant 0 : i32
    %eq3A_17 = arith.cmpi eq, %jit3A_16, %eq3A : i32
    %jit3A_18 = arith.constant 1 : i32
    %select_n3A_19 = arith.select %eq3A_17, %jit3A_18, %jit3A_16 : i32
    %rem3A_20 = arith.remsi %arg0, %select_n3A_19 : i32
    %ne3A_21 = arith.constant 0 : i32
    %ne3A_22 = arith.cmpi ne, %rem3A_20, %ne3A_21 : i32
    %lt3A = arith.constant 0 : i32
    %lt3A_23 = arith.cmpi slt, %rem3A_20, %lt3A : i32
    %lt3A_24 = arith.constant 0 : i32
    %lt3A_25 = arith.cmpi slt, %select_n3A_19, %lt3A_24 : i32
    %ne3A_26 = arith.xori %lt3A_23, %lt3A_25 : i1
    %and3A_27 = arith.andi %ne3A_26, %ne3A_22 : i1
    %add3A = arith.addi %rem3A_20, %select_n3A_19 : i32
    %select_n3A_28 = arith.select %and3A_27, %add3A, %rem3A_20 : i32
    %c0_i32 = arith.constant 0 : i32
    %c0_i32_29 = arith.constant 0 : i32
    return %select_n3A, %c0_i32, %select_n3A_28 : i32, i32, i32
  }
  func.func @transform_1(%arg0: i32) -> (i32, i32) {
    %c0_i32 = arith.constant 0 : i32
    %c0_i32_0 = arith.constant 0 : i32
    %c0_i32_1 = arith.constant 0 : i32
    return %c0_i32, %c0_i32_0 : i32, i32
  }
  func.func @transform_2(%arg0: i32) -> (i32, i32) {
    %c0_i32 = arith.constant 0 : i32
    %c0_i32_0 = arith.constant 0 : i32
    %c0_i32_1 = arith.constant 0 : i32
    return %c0_i32, %c0_i32_0 : i32, i32
  }
  func.func @transform_3(%arg0: i32) -> (i32, i32) {
    %c0_i32 = arith.constant 0 : i32
    %c0_i32_0 = arith.constant 0 : i32
    %c0_i32_1 = arith.constant 0 : i32
    return %c0_i32, %c0_i32_0 : i32, i32
  }
  func.func @transform_4(%arg0: i32) -> (i32, i32) {
    %c0_i32 = arith.constant 0 : i32
    %c0_i32_0 = arith.constant 0 : i32
    %c0_i32_1 = arith.constant 0 : i32
    return %c0_i32, %c0_i32_0 : i32, i32
  }
  func.func @transform_5(%arg0: i32) -> (i32, i32) {
    %c0_i32 = arith.constant 0 : i32
    %c0_i32_0 = arith.constant 0 : i32
    %c0_i32_1 = arith.constant 0 : i32
    return %c0_i32, %c0_i32_0 : i32, i32
  }
  func.func @transform_6(%arg0: i32) -> (i32, i32) {
    %c0_i32 = arith.constant 0 : i32
    %c0_i32_0 = arith.constant 0 : i32
    %c0_i32_1 = arith.constant 0 : i32
    return %c0_i32, %c0_i32_0 : i32, i32
  }
  func.func @transform_7(%arg0: i32) -> (i32, i32) {
    %c0_i32 = arith.constant 0 : i32
    %c0_i32_0 = arith.constant 0 : i32
    %c0_i32_1 = arith.constant 0 : i32
    return %c0_i32, %c0_i32_0 : i32, i32
  }
  func.func @transform_8(%arg0: i32) -> (i32, i32) {
    %c0_i32 = arith.constant 0 : i32
    %c0_i32_0 = arith.constant 0 : i32
    %c0_i32_1 = arith.constant 0 : i32
    return %c0_i32, %c0_i32_0 : i32, i32
  }
  func.func @transform_9(%arg0: i32) -> (i32, i32) {
    %c0_i32 = arith.constant 0 : i32
    %c0_i32_0 = arith.constant 0 : i32
    %c0_i32_1 = arith.constant 0 : i32
    return %c0_i32, %c0_i32_0 : i32, i32
  }
  func.func @transform_10(%arg0: i32) -> (i32, i32) {
    %c0_i32 = arith.constant 0 : i32
    %c0_i32_0 = arith.constant 0 : i32
    %c0_i32_1 = arith.constant 0 : i32
    return %c0_i32, %c0_i32_0 : i32, i32
  }
  func.func @transform_11(%arg0: i32) -> (i32, i32) {
    %c0_i32 = arith.constant 0 : i32
    %c0_i32_0 = arith.constant 0 : i32
    %c0_i32_1 = arith.constant 0 : i32
    return %c0_i32, %c0_i32_0 : i32, i32
  }
  func.func @transform_12(%arg0: i32) -> (i32, i32) {
    %c0_i32 = arith.constant 0 : i32
    %c0_i32_0 = arith.constant 0 : i32
    %c0_i32_1 = arith.constant 0 : i32
    return %c0_i32, %c0_i32_0 : i32, i32
  }
  func.func @transform_13(%arg0: i32) -> (i32, i32) {
    %c0_i32 = arith.constant 0 : i32
    %c0_i32_0 = arith.constant 0 : i32
    %c0_i32_1 = arith.constant 0 : i32
    return %c0_i32, %c0_i32_0 : i32, i32
  }
  func.func @transform_14(%arg0: i32) -> (i32, i32, i32) {
    %c0_i32 = arith.constant 0 : i32
    %c0_i32_0 = arith.constant 0 : i32
    %c0_i32_1 = arith.constant 0 : i32
    return %arg0, %c0_i32, %c0_i32_0 : i32, i32, i32
  }
  func.func @transform_15(%arg0: i32) -> (i32, i32) {
    %c0_i32 = arith.constant 0 : i32
    %c0_i32_0 = arith.constant 0 : i32
    return %arg0, %c0_i32 : i32, i32
  }
  func.func @transform_16(%arg0: i32) -> (i32, i32, i32) {
    %c0_i32 = arith.constant 0 : i32
    %c0_i32_0 = arith.constant 0 : i32
    %c0_i32_1 = arith.constant 0 : i32
    return %arg0, %c0_i32, %c0_i32_0 : i32, i32, i32
  }
  func.func @transform_17(%arg0: i32) -> (i32, i32, i32) {
    %c0_i32 = arith.constant 0 : i32
    %c0_i32_0 = arith.constant 0 : i32
    %c0_i32_1 = arith.constant 0 : i32
    return %arg0, %c0_i32, %c0_i32_0 : i32, i32, i32
  }
}

module attributes {stable_mosaic.version = 14 : i64} {
  func.func @_k3_body(%arg0: i32, %arg1: memref<1408xi32, #tpu.memory_space<smem>>, %arg2: memref<1x256x128xf32, #tpu.memory_space<vmem>>, %arg3: memref<1x128x32xf32, #tpu.memory_space<vmem>>, %arg4: memref<1x1x32xf32, #tpu.memory_space<vmem>>, %arg5: memref<1x32x32xf32, #tpu.memory_space<vmem>>, %arg6: memref<1x1x32xf32, #tpu.memory_space<vmem>>, %arg7: memref<1x32x32xf32, #tpu.memory_space<vmem>>, %arg8: memref<1x1x32xf32, #tpu.memory_space<vmem>>, %arg9: memref<1x1x256xi32, #tpu.memory_space<vmem>>) attributes {dimension_semantics = [#tpu.dimension_semantics<arbitrary>], iteration_bounds = array<i64: 1408>, scalar_prefetch = 1 : i64, scratch_operands = 0 : i64, tpu.core_type = #tpu.core_type<tc>, window_params = [{transform_indices = @transform_0, window_bounds = array<i64: 1, 256, 128>}, {transform_indices = @transform_1, window_bounds = array<i64: 1, 128, 32>}, {transform_indices = @transform_2, window_bounds = array<i64: 1, 1, 32>}, {transform_indices = @transform_3, window_bounds = array<i64: 1, 32, 32>}, {transform_indices = @transform_4, window_bounds = array<i64: 1, 1, 32>}, {transform_indices = @transform_5, window_bounds = array<i64: 1, 32, 32>}, {transform_indices = @transform_6, window_bounds = array<i64: 1, 1, 32>}, {transform_indices = @transform_7, window_bounds = array<i64: 1, 1, 256>}]} {
    %get3A = arith.index_cast %arg0 : i32 to index
    %get3A_0 = memref.load %arg1[%get3A] : memref<1408xi32, #tpu.memory_space<smem>>
    %get3A_1 = arith.constant 0 : index
    %get3A_2 = arith.constant 0 : index
    %get3A_3 = arith.constant 0 : index
    %get3A_4 = vector.load %arg2[%get3A_1, %get3A_2, %get3A_3] : memref<1x256x128xf32, #tpu.memory_space<vmem>>, vector<1x256x128xf32>
    %get3A_5 = vector.shape_cast %get3A_4 : vector<1x256x128xf32> to vector<256x128xf32>
    %get3A_6 = arith.constant 0 : index
    %get3A_7 = arith.constant 0 : index
    %get3A_8 = arith.constant 0 : index
    %get3A_9 = vector.load %arg3[%get3A_6, %get3A_7, %get3A_8] : memref<1x128x32xf32, #tpu.memory_space<vmem>>, vector<1x128x32xf32>
    %get3A_10 = vector.shape_cast %get3A_9 : vector<1x128x32xf32> to vector<128x32xf32>
    %dot_general3A = arith.constant dense<0.000000e+00> : vector<256x32xf32>
    %dot_general3A_11 = tpu.matmul %get3A_5, %get3A_10, %dot_general3A {dimension_numbers = #tpu.dot_dimension_numbers<[1], [0], [0], [1], [0, 0, 1, 1], [], []>, transpose_lhs_hint = false} : vector<256x128xf32>, vector<128x32xf32>, vector<256x32xf32> -> vector<256x32xf32>
    %get3A_12 = arith.constant 0 : index
    %get3A_13 = arith.constant 0 : index
    %get3A_14 = arith.constant 0 : index
    %get3A_15 = vector.load %arg4[%get3A_12, %get3A_13, %get3A_14] : memref<1x1x32xf32, #tpu.memory_space<vmem>>, vector<1x1x32xf32>
    %get3A_16 = vector.shape_cast %get3A_15 : vector<1x1x32xf32> to vector<32xf32>
    %broadcast_in_dim3A = vector.shape_cast %get3A_16 : vector<32xf32> to vector<1x32xf32>
    %add3A = vector.broadcast %broadcast_in_dim3A : vector<1x32xf32> to vector<256x32xf32>
    %add3A_17 = arith.addf %dot_general3A_11, %add3A : vector<256x32xf32>
    %ge3A = arith.constant 0.000000e+00 : f32
    %ge3A_18 = vector.broadcast %ge3A : f32 to vector<256x32xf32>
    %ge3A_19 = arith.cmpf oge, %add3A_17, %ge3A_18 : vector<256x32xf32>
    %mul3A = arith.constant 0.00999999977 : f32
    %mul3A_20 = vector.broadcast %mul3A : f32 to vector<256x32xf32>
    %mul3A_21 = arith.mulf %mul3A_20, %add3A_17 : vector<256x32xf32>
    %select_n3A = arith.select %ge3A_19, %add3A_17, %mul3A_21 : vector<256x32xi1>, vector<256x32xf32>
    %get3A_22 = arith.constant 0 : index
    %get3A_23 = arith.constant 0 : index
    %get3A_24 = arith.constant 0 : index
    %get3A_25 = vector.load %arg5[%get3A_22, %get3A_23, %get3A_24] : memref<1x32x32xf32, #tpu.memory_space<vmem>>, vector<1x32x32xf32>
    %get3A_26 = vector.shape_cast %get3A_25 : vector<1x32x32xf32> to vector<32x32xf32>
    %dot_general3A_27 = arith.constant dense<0.000000e+00> : vector<256x32xf32>
    %dot_general3A_28 = tpu.matmul %select_n3A, %get3A_26, %dot_general3A_27 {dimension_numbers = #tpu.dot_dimension_numbers<[1], [0], [0], [1], [0, 0, 1, 1], [], []>, transpose_lhs_hint = false} : vector<256x32xf32>, vector<32x32xf32>, vector<256x32xf32> -> vector<256x32xf32>
    %get3A_29 = arith.constant 0 : index
    %get3A_30 = arith.constant 0 : index
    %get3A_31 = arith.constant 0 : index
    %get3A_32 = vector.load %arg6[%get3A_29, %get3A_30, %get3A_31] : memref<1x1x32xf32, #tpu.memory_space<vmem>>, vector<1x1x32xf32>
    %get3A_33 = vector.shape_cast %get3A_32 : vector<1x1x32xf32> to vector<32xf32>
    %broadcast_in_dim3A_34 = vector.shape_cast %get3A_33 : vector<32xf32> to vector<1x32xf32>
    %add3A_35 = vector.broadcast %broadcast_in_dim3A_34 : vector<1x32xf32> to vector<256x32xf32>
    %add3A_36 = arith.addf %dot_general3A_28, %add3A_35 : vector<256x32xf32>
    %ge3A_37 = arith.constant 0.000000e+00 : f32
    %ge3A_38 = vector.broadcast %ge3A_37 : f32 to vector<256x32xf32>
    %ge3A_39 = arith.cmpf oge, %add3A_36, %ge3A_38 : vector<256x32xf32>
    %mul3A_40 = arith.constant 0.00999999977 : f32
    %mul3A_41 = vector.broadcast %mul3A_40 : f32 to vector<256x32xf32>
    %mul3A_42 = arith.mulf %mul3A_41, %add3A_36 : vector<256x32xf32>
    %select_n3A_43 = arith.select %ge3A_39, %add3A_36, %mul3A_42 : vector<256x32xi1>, vector<256x32xf32>
    %get3A_44 = arith.constant 0 : index
    %get3A_45 = arith.constant 0 : index
    %get3A_46 = arith.constant 0 : index
    %get3A_47 = vector.load %arg7[%get3A_44, %get3A_45, %get3A_46] : memref<1x32x32xf32, #tpu.memory_space<vmem>>, vector<1x32x32xf32>
    %get3A_48 = vector.shape_cast %get3A_47 : vector<1x32x32xf32> to vector<32x32xf32>
    %dot_general3A_49 = arith.constant dense<0.000000e+00> : vector<256x32xf32>
    %dot_general3A_50 = tpu.matmul %select_n3A_43, %get3A_48, %dot_general3A_49 {dimension_numbers = #tpu.dot_dimension_numbers<[1], [0], [0], [1], [0, 0, 1, 1], [], []>, transpose_lhs_hint = false} : vector<256x32xf32>, vector<32x32xf32>, vector<256x32xf32> -> vector<256x32xf32>
    %get3A_51 = arith.constant 0 : index
    %get3A_52 = arith.constant 0 : index
    %get3A_53 = arith.constant 0 : index
    %get3A_54 = vector.load %arg8[%get3A_51, %get3A_52, %get3A_53] : memref<1x1x32xf32, #tpu.memory_space<vmem>>, vector<1x1x32xf32>
    %get3A_55 = vector.shape_cast %get3A_54 : vector<1x1x32xf32> to vector<32xf32>
    %broadcast_in_dim3A_56 = vector.shape_cast %get3A_55 : vector<32xf32> to vector<1x32xf32>
    %add3A_57 = vector.broadcast %broadcast_in_dim3A_56 : vector<1x32xf32> to vector<256x32xf32>
    %add3A_58 = arith.addf %dot_general3A_50, %add3A_57 : vector<256x32xf32>
    %argmax3A = tpu.reduce_index %add3A_58 {axis = 1 : i32, kind = #tpu.reduction_kind<arg_max>} : vector<256x32xf32> -> vector<256xi32>
    %mul3A_59 = arith.constant 16 : i32
    %mul3A_60 = arith.muli %get3A_0, %mul3A_59 : i32
    %sub3A = arith.constant 8 : i32
    %sub3A_61 = vector.broadcast %sub3A : i32 to vector<256xi32>
    %sub3A_62 = arith.subi %argmax3A, %sub3A_61 : vector<256xi32>
    %add3A_63 = vector.broadcast %mul3A_60 : i32 to vector<256xi32>
    %add3A_64 = arith.addi %add3A_63, %sub3A_62 : vector<256xi32>
    %jit3A = arith.constant 0 : i32
    %jit3A_65 = arith.constant 4095 : i32
    %max3A = vector.broadcast %jit3A : i32 to vector<256xi32>
    %max3A_66 = arith.maxsi %max3A, %add3A_64 : vector<256xi32>
    %min3A = vector.broadcast %jit3A_65 : i32 to vector<256xi32>
    %min3A_67 = arith.minsi %min3A, %max3A_66 : vector<256xi32>
    %swap3A = arith.constant 0 : index
    %swap3A_68 = arith.constant 0 : index
    %swap3A_69 = arith.constant 0 : index
    %swap3A_70 = vector.load %arg9[%swap3A, %swap3A_68, %swap3A_69] : memref<1x1x256xi32, #tpu.memory_space<vmem>>, vector<1x1x256xi32>
    %swap3A_71 = vector.shape_cast %swap3A_70 : vector<1x1x256xi32> to vector<256xi32>
    %swap3A_72 = vector.shape_cast %min3A_67 : vector<256xi32> to vector<1x1x256xi32>
    tpu.vector_store %arg9[%swap3A, %swap3A_68, %swap3A_69], %swap3A_72 {strides = array<i32>} : memref<1x1x256xi32, #tpu.memory_space<vmem>>, vector<1x1x256xi32>,
    return
  }
  func.func @transform_0(%arg0: i32, %arg1: memref<1408xi32, #tpu.memory_space<smem>>) -> (i32, i32, i32) {
    %c0_i32 = arith.constant 0 : i32
    %c0_i32_0 = arith.constant 0 : i32
    %c0_i32_1 = arith.constant 0 : i32
    return %arg0, %c0_i32, %c0_i32_0 : i32, i32, i32
  }
  func.func @transform_1(%arg0: i32, %arg1: memref<1408xi32, #tpu.memory_space<smem>>) -> (i32, i32, i32) {
    %get3A = arith.index_cast %arg0 : i32 to index
    %get3A_0 = memref.load %arg1[%get3A] : memref<1408xi32, #tpu.memory_space<smem>>
    %c0_i32 = arith.constant 0 : i32
    %c0_i32_1 = arith.constant 0 : i32
    %c0_i32_2 = arith.constant 0 : i32
    return %get3A_0, %c0_i32, %c0_i32_1 : i32, i32, i32
  }
  func.func @transform_2(%arg0: i32, %arg1: memref<1408xi32, #tpu.memory_space<smem>>) -> (i32, i32, i32) {
    %get3A = arith.index_cast %arg0 : i32 to index
    %get3A_0 = memref.load %arg1[%get3A] : memref<1408xi32, #tpu.memory_space<smem>>
    %c0_i32 = arith.constant 0 : i32
    %c0_i32_1 = arith.constant 0 : i32
    %c0_i32_2 = arith.constant 0 : i32
    return %get3A_0, %c0_i32, %c0_i32_1 : i32, i32, i32
  }
  func.func @transform_3(%arg0: i32, %arg1: memref<1408xi32, #tpu.memory_space<smem>>) -> (i32, i32, i32) {
    %get3A = arith.index_cast %arg0 : i32 to index
    %get3A_0 = memref.load %arg1[%get3A] : memref<1408xi32, #tpu.memory_space<smem>>
    %c0_i32 = arith.constant 0 : i32
    %c0_i32_1 = arith.constant 0 : i32
    %c0_i32_2 = arith.constant 0 : i32
    return %get3A_0, %c0_i32, %c0_i32_1 : i32, i32, i32
  }
  func.func @transform_4(%arg0: i32, %arg1: memref<1408xi32, #tpu.memory_space<smem>>) -> (i32, i32, i32) {
    %get3A = arith.index_cast %arg0 : i32 to index
    %get3A_0 = memref.load %arg1[%get3A] : memref<1408xi32, #tpu.memory_space<smem>>
    %c0_i32 = arith.constant 0 : i32
    %c0_i32_1 = arith.constant 0 : i32
    %c0_i32_2 = arith.constant 0 : i32
    return %get3A_0, %c0_i32, %c0_i32_1 : i32, i32, i32
  }
  func.func @transform_5(%arg0: i32, %arg1: memref<1408xi32, #tpu.memory_space<smem>>) -> (i32, i32, i32) {
    %get3A = arith.index_cast %arg0 : i32 to index
    %get3A_0 = memref.load %arg1[%get3A] : memref<1408xi32, #tpu.memory_space<smem>>
    %c0_i32 = arith.constant 0 : i32
    %c0_i32_1 = arith.constant 0 : i32
    %c0_i32_2 = arith.constant 0 : i32
    return %get3A_0, %c0_i32, %c0_i32_1 : i32, i32, i32
  }
  func.func @transform_6(%arg0: i32, %arg1: memref<1408xi32, #tpu.memory_space<smem>>) -> (i32, i32, i32) {
    %get3A = arith.index_cast %arg0 : i32 to index
    %get3A_0 = memref.load %arg1[%get3A] : memref<1408xi32, #tpu.memory_space<smem>>
    %c0_i32 = arith.constant 0 : i32
    %c0_i32_1 = arith.constant 0 : i32
    %c0_i32_2 = arith.constant 0 : i32
    return %get3A_0, %c0_i32, %c0_i32_1 : i32, i32, i32
  }
  func.func @transform_7(%arg0: i32, %arg1: memref<1408xi32, #tpu.memory_space<smem>>) -> (i32, i32, i32) {
    %c0_i32 = arith.constant 0 : i32
    %c0_i32_0 = arith.constant 0 : i32
    %c0_i32_1 = arith.constant 0 : i32
    return %arg0, %c0_i32, %c0_i32_0 : i32, i32, i32
  }
}

</mosaic_0001>

<sc_bundles>
// kernel: gather_offload_async_start
scs
__scs_entry_jumppad:
0x0: {  	(pc) =	sbr.rel $0x88, $3  }
0x1: {  	(tag) =	ssettag $0x0;
	lr =	simm.s32 $0x1  }
0x2: {  	[smem:$0x3F8E] =	sst lr;
	_ =	strace $0xD0000000  }
0x3: {  	_ = 	snop  }
0x4: {  	_ = 	snop  }
0x5: {  	_ = 	snop  }
0x6: {  	_ = 	snop  }
0x7: {  	_ = 	snop  }
__scs_overlays_trampoline_lowered:
0x8: {  	[smem:$0x3F9D] =	sst s0  }
0x9: {  	[smem:$0x3F9E] =	sst s1  }
0xa: {  	[smem:$0x3F9F] =	sst s2  }
0xb: {  	[smem:$0x3FA0] =	sst s3  }
0xc: {  	[smem:$0x3FA1] =	sst s4  }
0xd: {  	[smem:$0x3FA2] =	sst s5  }
0xe: {  	[smem:$0x3FA3] =	sst s6  }
0xf: {  	[smem:$0x3FA4] =	sst s7  }
0x10: {  	[smem:$0x3FA5] =	sst s8  }
0x11: {  	[smem:$0x3FA6] =	sst s9;
	s0 =	simm.s32 @!p0 $0x0  }
0x12: {  	s1 =	sld [smem:$0x3F8C];
	s0 =	simm.s32 @p0 $0x1  }
0x13: {  	[smem:$0x3FA7] =	sst s0;
	s0 =	simm.s32 @!p1 $0x0  }
0x14: {  	s2 =	sld [smem:$0x3F8B];
	s0 =	simm.s32 @p1 $0x1  }
0x15: {  	[smem:$0x3FA8] =	sst s0;
	s0 =	simm.s32 @!p2 $0x0  }
0x16: {  	s3 =	sld [smem:$0x3FDB];
	s0 =	simm.s32 @p2 $0x1  }
0x17: {  	s4 =	simm.s32 $0x1BF5;
	[smem:$0x3FAA] =	sst s0  }
0x18: {  	s0 =	sld [smem:$0x3F8D];
	_ =	swait.ge [sflag:s4], $0x0  }
0x19: {  	s7 =	sld [smem:$0x3F8E]  }
0x1a: {  	s8 =	sadd.s32 $0xFFFFE003, lr  }
0x1b: {  	s9 =	sadd.s32 $0xFFFFFEF7, lr;
	s5 =	simm.s32 $0xFFFFFFFF;
	p2 =	slt.u32 s8, $0xFFFFF086  }
0x1c: {  	p1 =	slt.u32 s9, $0xF7A;
	s5 =	simm.s32 @!p2 $0x0  }
0x1d: {  	s5 =	simm.s32 @p1 $0x1;
	p0 =	seq.s32 s7, s2  }
0x1e: {  	s7 =	smul.u32 @!p0 $0xF7A, s2;
	p2 =	seq.s32 @!p0 s5, $0x0  }
0x1f: {  	s9 =	smul.u32 $0xF7A, s1;
	s8 =	simm.s32 @!p0 $0x1BF5;
	p2 =	por !p2, p0  }
0x20: {  	[sflag:s8] =	ssyncset.s32 @!p0 $0xFFFFF086;
	s6 =	sadd.s32 @!p0 s3, s7;
	s7 =	simm.s32 @!p0 $0x108  }
0x21: {  	s3 =	sadd.s32 s3, s9;
	s6 =	sadd.s32 @!p0 $0x88, s6;
	s7 =	simm.s32 @p2 $0x1082  }
0x22: {  	[simem:s7], [sflag:s8] =	dma.local @!p0 [hbm:s6], $0xF7A  }
0x23: {  	s9 =	sor.u32 $0xD0000000, s2;
	s6 =	simm.s32 $0x108;
	_ =	swait.ge @!p0 [sflag:s8], $0x0  }
0x24: {  	s3 =	sadd.s32 $0x88, s3;
	s6 =	simm.s32 @!p1 $0x1082;
	[sflag:s4] =	ssyncset.s32 $0xFFFFF086  }
0x25: {  	[simem:s6], [sflag:s4] =	dma.local [hbm:s3], $0xF7A  }
0x26: {  	[smem:$0x3F8E] =	sst s1;
	(tag) =	ssettag s2;
	_ =	strace s9  }
0x27: {  	s1 =	sld [smem:$0x3F9E]  }
0x28: {  	s2 =	sld [smem:$0x3F9F]  }
0x29: {  	s4 =	sld [smem:$0x3FA1]  }
0x2a: {  	p0 =	seq.s32 s5, $0x0;
	s5 =	sld [smem:$0x3FA2]  }
0x2b: {  	s6 =	sld [smem:$0x3FA3]  }
0x2c: {  	s7 =	sld [smem:$0x3FA4]  }
0x2d: {  	s3 =	simm.s32 $0x108;
	s8 =	sld [smem:$0x3FA5]  }
0x2e: {  	s3 =	simm.s32 @!p0 $0x1082;
	s9 =	sld [smem:$0x3FA6]  }
0x2f: {  	lr =	sadd.s32 s0, s3;
	s0 =	sld [smem:$0x3F9D]  }
0x30: {  	s3 =	sld [smem:$0x3FA0]  }
0x31: {  	[smem:$0x3FA9] =	sst s10  }
0x32: {  	s10 =	sld [smem:$0x3FA7];
	_ =	sdelay $0x3  }
0x33: {  	p0 =	seq.s32 s10, $0x1;
	s10 =	sld [smem:$0x3FA9];
	_ =	sdelay $0x3  }
0x34: {  	[smem:$0x3FA9] =	sst s10  }
0x35: {  	s10 =	sld [smem:$0x3FA8];
	_ =	sdelay $0x3  }
0x36: {  	p1 =	seq.s32 s10, $0x1;
	s10 =	sld [smem:$0x3FA9];
	_ =	sdelay $0x3  }
0x37: {  	[smem:$0x3FA9] =	sst s10  }
0x38: {  	s10 =	sld [smem:$0x3FAA]  }
0x39: {  	_ = 	snop;
	(pc) =	sbr.ind lr, $3  }
0x3a: {  	_ = 	snop  }
0x3b: {  	_ = 	snop  }
0x3c: {  	p2 =	seq.s32 s10, $0x1;
	s10 =	sld [smem:$0x3FA9]  }
0x3d: {  	_ =	shalt  }
0x3e: {  	_ =	shalt  }
0x3f: {  	_ =	shalt  }
0x40: {  	_ =	shalt  }
0x41: {  	_ =	shalt  }
0x42: {  	_ =	shalt  }
0x43: {  	_ =	shalt  }
0x44: {  	_ =	shalt  }
0x45: {  	_ =	shalt  }
0x46: {  	_ =	shalt  }
0x47: {  	_ =	shalt  }
0x48: {  	_ =	shalt  }
0x49: {  	_ =	shalt  }
0x4a: {  	_ =	shalt  }
0x4b: {  	_ =	shalt  }
0x4c: {  	_ =	shalt  }
0x4d: {  	_ =	shalt  }
0x4e: {  	_ =	shalt  }
0x4f: {  	_ =	shalt  }
0x50: {  	_ =	shalt  }
0x51: {  	_ =	shalt  }
0x52: {  	_ =	shalt  }
0x53: {  	_ =	shalt  }
0x54: {  	_ =	shalt  }
0x55: {  	_ =	shalt  }
0x56: {  	_ =	shalt  }
0x57: {  	_ =	shalt  }
0x58: {  	_ =	shalt  }
0x59: {  	_ =	shalt  }
0x5a: {  	_ =	shalt  }
0x5b: {  	_ =	shalt  }
0x5c: {  	_ =	shalt  }
0x5d: {  	_ =	shalt  }
0x5e: {  	_ =	shalt  }
0x5f: {  	_ =	shalt  }
0x60: {  	_ =	shalt  }
0x61: {  	_ =	shalt  }
0x62: {  	_ =	shalt  }
0x63: {  	_ =	shalt  }
0x64: {  	_ =	shalt  }
0x65: {  	_ =	shalt  }
0x66: {  	_ =	shalt  }
0x67: {  	_ =	shalt  }
0x68: {  	_ =	shalt  }
0x69: {  	_ =	shalt  }
0x6a: {  	_ =	shalt  }
0x6b: {  	_ =	shalt  }
0x6c: {  	_ =	shalt  }
0x6d: {  	_ =	shalt  }
0x6e: {  	_ =	shalt  }
0x6f: {  	_ =	shalt  }
0x70: {  	_ =	shalt  }
0x71: {  	_ =	shalt  }
0x72: {  	_ =	shalt  }
0x73: {  	_ =	shalt  }
0x74: {  	_ =	shalt  }
0x75: {  	_ =	shalt  }
0x76: {  	_ =	shalt  }
0x77: {  	_ =	shalt  }
0x78: {  	_ =	shalt  }
0x79: {  	_ =	shalt  }
0x7a: {  	_ =	shalt  }
0x7b: {  	_ =	shalt  }
0x7c: {  	_ =	shalt  }
0x7d: {  	_ =	shalt  }
0x7e: {  	_ =	shalt  }
0x7f: {  	_ =	shalt  }
0x80: {  	_ =	shalt  }
0x81: {  	_ =	shalt  }
0x82: {  	_ =	shalt  }
0x83: {  	_ =	shalt  }
0x84: {  	_ =	shalt  }
0x85: {  	_ =	shalt  }
0x86: {  	_ =	shalt  }
0x87: {  	_ =	shalt  }
.Lfunc_end0:
.L_simem_size_0:
called_computation_lowered:
.L_overlay_start_0:
0x88: {  	s2 =	sld [smem:$0x3FD9]  }
0x89: {  	s3 =	sld [smem:$0x3FFE];
	_ =	sdelay $0x1  }
0x8a: {  	s1 =	srdreg.scid  }
0x8b: {  	s0 =	sand.u32 $0x1, s1  }
0x8c: {  	s17 =	sshll.u32 s0, $0xA;
	s2 =	sadd.s32 s3, s2  }
0x8d: {  	s2 =	sadd.s32 s2, s17  }
0x8e: {  	[smem:$0x3FB5] =	sst s2  }
0x8f: {  	_ = 	snop  }
0x90: {  	s2 =	sld [smem:$0x3FD0];
	(tm) =	ssettm $0x1  }
0x91: {  	s18 =	sld [smem:$0x3FFB];
	_ =	sdelay $0x3  }
0x92: {  	_ =	strace s18  }
0x93: {  	s3 =	sld [smem:$0x3FFC];
	_ =	sdelay $0x3  }
0x94: {  	_ =	strace s3  }
0x95: {  	s3 =	sld [smem:$0x3FFD];
	_ =	sdelay $0x3  }
0x96: {  	_ =	strace s3  }
0x97: {  	_ =	strace $0x8FFFFFFF  }
0x98: {  	s19 =	sld [smem:$0x3FDB];
	_ =	sdelay $0x1  }
0x99: {  	s4 =	simm.s32 $_scs_section_size  }
0x9a: {  	s5 =	simm.s32 $_size__tile_overlayer_lowered;
	s6 =	simm.s32 $_tile_overlayer_lowered  }
0x9b: {  	s22 =	simm.s32 $0x1BFF;
	s21 =	sshll.u32 s6, $0x1;
	s3 =	sadd.s32 s4, s19  }
0x9c: {  	s7 =	simm.s32 $0x0;
	s20 =	sshll.u32 s5, $0x1;
	s5 =	sadd.s32 s21, s3  }
0x9d: {  	[timem:s7], [sflag:s22] =	dma.local [hbm:s5], s20  }
0x9e: {  	_ =	swait.ge [sflag:s22], s20  }
0x9f: {  	s4 =	ssub.s32 $0x0, s20;
	[sflag:s22] =	ssyncset.done $0x0  }
0xa0: {  	[sflag:s22] =	ssyncadd.s32 s4;
	_ =	sdelay $0x1  }
0xa1: {  	s23 =	simm.s32 $0x1B8B  }
0xa2: {  	_ =	swait.ge [sflag:s23], $0x1  }
0xa3: {  	[sflag:s23] =	ssyncset.done $0x0  }
0xa4: {  	s25 =	simm.s32 $0x1B8E;
	s24 =	sld [smem:$0x3FFE];
	[sflag:s23] =	ssyncadd.s32 $0xFFFFFFFF  }
0xa5: {  	s26 =	simm.s32 $execute0_lowered;
	[smem:$0x3FD2] =	sst s25  }
0xa6: {  	s5 =	sshll.u32 s26, $0x1;
	_ =	strace $0x80000049;
	[dreg:$0x1] =	wrdreg $0xFFFFFFFF  }
0xa7: {  	s28 =	simm.s32 $_size_execute0_lowered;
	s3 =	sadd.s32 s3, s5;
	[dreg:$0x0] =	wrdreg $0x0  }
0xa8: {  	s5 =	sshll.u32 s28, $0x1;
	[dreg:$0x2] =	wrdreg s3  }
0xa9: {  	[dreg:$0x3] =	wrdreg s5  }
0xaa: {  	[dreg:$0x4] =	wrdreg $0xC0  }
0xab: {  	_ =	task [dreg:s7], $0x5FFFF  }
0xac: {  	[dreg:$0x1] =	wrdreg $0xFFFFFFFF  }
0xad: {  	[dreg:$0x0] =	wrdreg $0x60  }
0xae: {  	[dreg:$0x2] =	wrdreg s24  }
0xaf: {  	[dreg:$0x3] =	wrdreg s2  }
0xb0: {  	[dreg:$0x4] =	wrdreg $0x9  }
0xb1: {  	_ =	task.clear_ibuf [dreg:s7], $0x5FFFF;
	_ =	strace $0x90000049  }
0xb2: {  	s29 =	simm.s32 $0x9;
	_ =	strace $0x8000004B  }
0xb3: {  	_ =	swait.ge [sflag:s29], $0x1  }
0xb4: {  	[sflag:s29] =	ssyncadd.s32 $0xFFFFFFFF  }
0xb5: {  	_ =	strace $0x9000004B  }
0xb6: {  	_ =	sfence  }
0xb7: {  	s30 =	sld [smem:$0x0];
	_ =	sdelay $0x2  }
0xb8: {  	s31 =	sshll.u32 s1, $0xD;
	s1 =	sshrl.u32 s1, $0x2  }
0xb9: {  	s3 =	sand.u32 $0x4000, s31;
	s1 =	sadd.s32 s1, s30  }
0xba: {  	s0 =	sor.u32 s3, s0;
	s1 =	sshll.u32 s1, $0x11  }
0xbb: {  	s0 =	sor.u32 s1, s0  }
0xbc: {  	s0 =	sadd.s32 $0x8F2B, s0  }
0xbd: {  	[sflag:s0] =	ssyncadd.remote.s32 $0x1  }
0xbe: {  	_ =	sfence.sel $0xFFFF  }
0xbf: {  	[dreg:$0x0] =	wrdreg $0xFFFFFFFF;
	(pc) =	sbr.abs _section_cstart, $3  }
0xc0: {  	[dreg:$0x1] =	wrdreg $0xFFFFFFFF  }
0xc1: {  	_ =	task.clear_ibuf [dreg:s7], $0x2FFFF;
	_ =	strace $0x9FFFFFFF  }
0xc2: {  	(tm) =	ssettm $0x7FFFFFFF  }
0xc3: {  	_ =	shalt  }
tec
execute0_lowered:
.L_overlay_start_1:
0x0: {  	(tag) =	ssettag $0x1  }
0x1: {  	s1 =	srdreg.scid;
	s5 =	rddreg [dreg:$0x0]  }
0x2: {  	s0 =	stileid.u32;
	s2 =	rddreg [dreg:$0x1];
	s6 =	simm.s32 $0x1  }
0x3: {  	s9 =	simm.s32 $0x1;
	s10 =	simm.s32 $0x3;
	s1 =	sshll.u32 s1, $0xD  }
0x4: {  	s13 =	simm.s32 $0x0;
	s3 =	sshll.u32 s0, $0xE;
	s4 =	sand.u32 $0x2000, s1  }
0x5: {  	s12 =	simm.s32 $0x0;
	s1 =	rddreg [dreg:$0x2];
	s3 =	sor.u32 s3, s4  }
0x6: {  	_ =	strace $0x8000004A;
	s4 =	sadd.s32 $0x2400, s5;
	s8 =	ssub.s32 $0x48000, s3  }
.Ltmp0:
0x7: {  	s5 =	sadd.s32 $0xD400, s5;
	s7 =	sand.u32 $0x3E000, s8;
	(pc) =	sbr.rel .LBB2_1-.Ltmp0, $4  }
0x8: {  	[sflag:s6] =	ssyncpa.u1 $0x0;
	s11 =	smov.u32 s3;
	p0 =	sne.s32 s7, $0x0  }
0x9: {  	s8 =	sshrl.u32 s8, $0x12;
	s7 =	simm.s32 $0x2;
	s9 =	simm.s32 @!p0 $0x0  }
0xa: {  	[sflag:s7] =	ssyncpa.u1 $0x0;
	p0 =	por $0x0, $0x0;
	s8 =	sadd.s32 s9, s8  }
0xb: {  	vm0 =	vmmov $0xffff;
	[sflag:s10] =	ssyncpa.u1 $0x0;
	s10 =	simm.s32 $0x0;
	s9 =	sadd.s32 $0x1, s8  }
.LBB2_4:
0xc: {  	v2 =	vnsel vm1, $0x0, v2  }
0xd: {  	vm1 =	vgt.s32 v0, $0x0;
	v2 =	vmin.u32 v2, $0x57FFF  }
0xe: {  	v0 =	vnsel vm1, $0x0, v0  }
0xf: {  	v0 =	vmin.u32 v0, $0x57FFF  }
0x10: {  	[tilespmem:s15], [sflag:$0x1] =	stream.indirect_vreg.gather [hbm4b:s4+s10], $0x1, v1, vm0, $0x4038;
	[tilespmem:$0x8000] =	vst v63  }
0x11: {  	(ifvalue) =	ssetifvalue $0x7FFFFFFF  }
0x12: {  	[tilespmem:s16], [sflag:$0x1] =	stream.indirect_vreg.gather [hbm4b:s4+s10], $0x1, v2, vm0, $0x4038;
	[tilespmem:$0x8000] =	vst v63  }
0x13: {  	s29 =	sadd.s32 $0x10, s16;
	(ifvalue) =	ssetifvalue $0x7FFFFFFF  }
0x14: {  	[tilespmem:s29], [sflag:$0x1] =	stream.indirect_vreg.gather [hbm4b:s4+s10], $0x1, v0, vm0, $0x4038;
	[tilespmem:$0x8000] =	vst v63  }
0x15: {  	_ =	swait.ge [sflag:s6], $0x2000  }
0x16: {  	s30 =	sshrl.u32 s13, $0x3;
	[sflag:s6] =	ssyncset.done $0x0  }
0x17: {  	s31 =	sand.u32 $0x7, s13;
	s15 =	sadd.s32 s5, s30;
	[sflag:s6] =	ssyncadd.s32 $0xFFFFE000  }
0x18: {  	[hbm4b:s15+s31] =	stream.linear.scatter [tilespmem:s14], [sflag:$0x3], $0x2000, $0x38;
	[tilespmem:$0x8000] =	vst v63  }
.LBB2_5:
0x19: {  	s15 =	sadd.s32 $0x40000, s11  }
0x1a: {  	p2 =	sgt.s32 s15, $0x47FFF  }
0x1b: {  	s15 =	smov.u32 @p2 s3;
	p2 =	sne.s32 s12, s9  }
.Ltmp1:
0x1c: {  	p1 =	slt.u32 s12, $0x2;
	(pc) =	sbr.rel @!p2 .LBB2_6-.Ltmp1, $4  }
0x1d: {  	s14 =	simm.s32 @!p1 $0x3  }
0x1e: {  	s16 =	sadd.s32 $0x1, s12;
	_ =	swait.ge @!p1 [sflag:s14], $0x2000  }
0x1f: {  	s13 =	smov.u32 s11;
	p0 =	por !p0, !p0;
	[sflag:s14] =	ssyncset.done @!p1 $0x0  }
0x20: {  	s12 =	smov.u32 s16;
	s11 =	smov.u32 s15;
	[sflag:s14] =	ssyncadd.s32 @!p1 $0xFFFFE000  }
.LBB2_1:
0x21: {  	p1 =	sge.u32 s12, s8  }
0x22: {  	s14 =	sxor.u32 @!p1 $0xFFFFFFFF, s12  }
0x23: {  	s31 =	sadd.s32 $0xFFFFFFFF, s12;
	s15 =	sshrl.u32 @!p1 s11, $0x3;
	s14 =	sshll.u32 @!p1 s14, $0xD  }
0x24: {  	s16 =	sand.u32 @!p1 $0x7, s11;
	s15 =	sadd.s32 @!p1 s2, s15;
	s14 =	sand.u32 @!p1 $0x2000, s14  }
0x25: {  	[tilespmem:s14], [sflag:$0x2] =	stream.linear.gather @!p1 [hbm4b:s15+s16], $0x2000, $0x38;
	[tilespmem:$0x8000] =	vst v63  }
0x26: {  	p1 =	sge.u32 s31, s8  }
.Ltmp2:
0x27: {  	_ = 	snop;
	(pc) =	sbr.rel @p1 .LBB2_5-.Ltmp2, $1  }
0x28: {  	_ =	sdelay $0x3  }
0x29: {  	s14 =	simm.s32 $0x1  }
0x2a: {  	_ =	swait.ge [sflag:s7], $0x2000;
	s14 =	simm.s32 @!p0 $0x0  }
0x2b: {  	[sflag:s7] =	ssyncset.done $0x0;
	s14 =	sshll.u32 s14, $0xD  }
0x2c: {  	[sflag:s7] =	ssyncadd.s32 $0xFFFFE000;
	(ifvalue) =	ssetifvalue $0x7FFFFFFF;
	v0 =	vld.msk [tilespmem:s14+$0x0 ss:$0x1], $0xffff;
	_ =	sdelay $0x4  }
0x2d: {  	s15 =	sadd.s32 $0x10, s14;
	vm1 =	vgt.s32 v0, $0x0  }
0x2e: {  	v2 =	vld.msk [tilespmem:s15+$0x0 ss:$0x1], $0xffff;
	v1 =	vnsel vm1, $0x0, v0  }
0x2f: {  	v1 =	vmin.u32 v1, $0x57FFF;
	_ =	sdelay $0x1  }
0x30: {  	s16 =	sshll.u32 s12, $0xD;
	s18 =	simm.s32 $0x20  }
0x31: {  	s16 =	sand.u32 $0x2000, s16;
	s17 =	sadd.s32 $0x10, s15;
	s15 =	sor.u32 $0x4000, s14  }
0x32: {  	s14 =	sor.u32 $0x4000, s16;
	s16 =	sadd.s32 $0x10, s15;
	v0 =	vld.msk [tilespmem:s17+$0x0 ss:$0x1], $0xffff;
	vm1 =	vgt.s32 v2, $0x0;
	(ifvalue) =	ssetifvalue $0x7FFFFFFF  }
.LBB2_3:
0x33: {  	[tilespmem:s15], [sflag:$0x1] =	stream.indirect_vreg.gather [hbm4b:s4+s10], $0x1, v1, vm0, $0x4038;
	[tilespmem:$0x8000] =	vst v63  }
0x34: {  	s18 =	sadd.s32 $0x10, s18  }
0x35: {  	v2 =	vnsel vm1, $0x0, v2;
	p1 =	slt.u32 s18, $0x1FF0  }
.Ltmp3:
0x36: {  	s15 =	smov.u32 s16;
	v1 =	vmin.u32 v2, $0x57FFF;
	(pc) =	sbr.rel @p1 .LBB2_3-.Ltmp3, $3  }
0x37: {  	_ =	sdelay $0x1  }
0x38: {  	s17 =	sadd.s32 $0x10, s17  }
0x39: {  	vm1 =	vgt.s32 v0, $0x0;
	s16 =	sadd.s32 $0x10, s16;
	v2 =	vmov v0;
	(ifvalue) =	ssetifvalue $0x7FFFFFFF;
	v0 =	vld.msk [tilespmem:s17+$0x0 ss:$0x1], $0xffff  }
.Ltmp4:
0x3a: {  	_ = 	snop;
	(pc) =	sbr.rel .LBB2_4-.Ltmp4, $1  }
0x3b: {  	_ =	sdelay $0x3  }
.LBB2_6:
0x3c: {  	_ =	sfence.sel $0x180000  }
0x3d: {  	s2 =	simm.s32 $0x2;
	[bflag:$0x0] =	sbarrier.arrive $0xFFFF  }
0x3e: {  	s30 =	simm.s32 $0x3;
	[sflag:s2] =	ssyncpa.u1 $0x1  }
0x3f: {  	s31 =	simm.s32 $0x1;
	[sflag:s30] =	ssyncpa.u1 $0x1  }
0x40: {  	[sflag:s31] =	ssyncpa.u1 $0x1  }
0x41: {  	p0 =	sne.s32 s0, $0x0;
	_ =	strace $0x9000004A  }
0x42: {  	s0 =	sadd.s32 @!p0 $0x100000, s1;
	[bflag:$0x2] =	sbarrier.arrive $0xFFFF  }
0x43: {  	[sflag:s0] =	ssyncadd.tile.s32 @!p0 $0x1;
	_ =	shalt  }
.Lfunc_end2:
_tile_overlayer_lowered:
.L_overlay_start_2:
0x44: {  	(tag) =	ssettag $0x2  }
0x45: {  	s0 =	rddreg [dreg:$0x0];
	s2 =	stileid.u32  }
0x46: {  	s1 =	rddreg [dreg:$0x1];
	p0 =	sne.s32 s2, $0x0  }
0x47: {  	s3 =	rddreg [dreg:$0x2];
	[bflag:$0x3] =	sbarrier.arrive $0xFFFF;
	s2 =	simm.s32 @!p0 $0x1C01  }
0x48: {  	[timem:s3], [sflag:s2] =	dma.local @!p0 [hbm:s0], s1  }
0x49: {  	s0 =	simm.s32 @!p0 $0x1  }
0x4a: {  	_ =	swait.ge @!p0 [sflag:s0], s1  }
0x4b: {  	s1 =	ssub.s32 @!p0 $0x0, s1;
	[sflag:s0] =	ssyncset.done @!p0 $0x0  }
0x4c: {  	[sflag:s0] =	ssyncadd.s32 @!p0 s1  }
0x4d: {  	[bflag:$0x3] =	sbarrier.arrive $0xFFFF  }
0x4e: {  	_ =	shalt  }

// kernel: kernel.5.cloned.1.call-start
scs
__scs_entry_jumppad:
0x0: {  	(pc) =	sbr.rel $0x88, $3  }
0x1: {  	(tag) =	ssettag $0x0;
	lr =	simm.s32 $0x1  }
0x2: {  	[smem:$0x3F8E] =	sst lr;
	_ =	strace $0xD0000000  }
0x3: {  	_ = 	snop  }
0x4: {  	_ = 	snop  }
0x5: {  	_ = 	snop  }
0x6: {  	_ = 	snop  }
0x7: {  	_ = 	snop  }
__scs_overlays_trampoline_lowered:
0x8: {  	[smem:$0x3F9D] =	sst s0  }
0x9: {  	[smem:$0x3F9E] =	sst s1  }
0xa: {  	[smem:$0x3F9F] =	sst s2  }
0xb: {  	[smem:$0x3FA0] =	sst s3  }
0xc: {  	[smem:$0x3FA1] =	sst s4  }
0xd: {  	[smem:$0x3FA2] =	sst s5  }
0xe: {  	[smem:$0x3FA3] =	sst s6  }
0xf: {  	[smem:$0x3FA4] =	sst s7  }
0x10: {  	[smem:$0x3FA5] =	sst s8  }
0x11: {  	[smem:$0x3FA6] =	sst s9;
	s0 =	simm.s32 @!p0 $0x0  }
0x12: {  	s1 =	sld [smem:$0x3F8C];
	s0 =	simm.s32 @p0 $0x1  }
0x13: {  	[smem:$0x3FA7] =	sst s0;
	s0 =	simm.s32 @!p1 $0x0  }
0x14: {  	s2 =	sld [smem:$0x3F8B];
	s0 =	simm.s32 @p1 $0x1  }
0x15: {  	[smem:$0x3FA8] =	sst s0;
	s0 =	simm.s32 @!p2 $0x0  }
0x16: {  	s3 =	sld [smem:$0x3FDB];
	s0 =	simm.s32 @p2 $0x1  }
0x17: {  	s4 =	simm.s32 $0x1BF5;
	[smem:$0x3FAA] =	sst s0  }
0x18: {  	s0 =	sld [smem:$0x3F8D];
	_ =	swait.ge [sflag:s4], $0x0  }
0x19: {  	s7 =	sld [smem:$0x3F8E]  }
0x1a: {  	s8 =	sadd.s32 $0xFFFFE003, lr  }
0x1b: {  	s9 =	sadd.s32 $0xFFFFFEF7, lr;
	s5 =	simm.s32 $0xFFFFFFFF;
	p2 =	slt.u32 s8, $0xFFFFF086  }
0x1c: {  	p1 =	slt.u32 s9, $0xF7A;
	s5 =	simm.s32 @!p2 $0x0  }
0x1d: {  	s5 =	simm.s32 @p1 $0x1;
	p0 =	seq.s32 s7, s2  }
0x1e: {  	s7 =	smul.u32 @!p0 $0xF7A, s2;
	p2 =	seq.s32 @!p0 s5, $0x0  }
0x1f: {  	s9 =	smul.u32 $0xF7A, s1;
	s8 =	simm.s32 @!p0 $0x1BF5;
	p2 =	por !p2, p0  }
0x20: {  	[sflag:s8] =	ssyncset.s32 @!p0 $0xFFFFF086;
	s6 =	sadd.s32 @!p0 s3, s7;
	s7 =	simm.s32 @!p0 $0x108  }
0x21: {  	s3 =	sadd.s32 s3, s9;
	s6 =	sadd.s32 @!p0 $0x88, s6;
	s7 =	simm.s32 @p2 $0x1082  }
0x22: {  	[simem:s7], [sflag:s8] =	dma.local @!p0 [hbm:s6], $0xF7A  }
0x23: {  	s9 =	sor.u32 $0xD0000000, s2;
	s6 =	simm.s32 $0x108;
	_ =	swait.ge @!p0 [sflag:s8], $0x0  }
0x24: {  	s3 =	sadd.s32 $0x88, s3;
	s6 =	simm.s32 @!p1 $0x1082;
	[sflag:s4] =	ssyncset.s32 $0xFFFFF086  }
0x25: {  	[simem:s6], [sflag:s4] =	dma.local [hbm:s3], $0xF7A  }
0x26: {  	[smem:$0x3F8E] =	sst s1;
	(tag) =	ssettag s2;
	_ =	strace s9  }
0x27: {  	s1 =	sld [smem:$0x3F9E]  }
0x28: {  	s2 =	sld [smem:$0x3F9F]  }
0x29: {  	s4 =	sld [smem:$0x3FA1]  }
0x2a: {  	p0 =	seq.s32 s5, $0x0;
	s5 =	sld [smem:$0x3FA2]  }
0x2b: {  	s6 =	sld [smem:$0x3FA3]  }
0x2c: {  	s7 =	sld [smem:$0x3FA4]  }
0x2d: {  	s3 =	simm.s32 $0x108;
	s8 =	sld [smem:$0x3FA5]  }
0x2e: {  	s3 =	simm.s32 @!p0 $0x1082;
	s9 =	sld [smem:$0x3FA6]  }
0x2f: {  	lr =	sadd.s32 s0, s3;
	s0 =	sld [smem:$0x3F9D]  }
0x30: {  	s3 =	sld [smem:$0x3FA0]  }
0x31: {  	[smem:$0x3FA9] =	sst s10  }
0x32: {  	s10 =	sld [smem:$0x3FA7];
	_ =	sdelay $0x3  }
0x33: {  	p0 =	seq.s32 s10, $0x1;
	s10 =	sld [smem:$0x3FA9];
	_ =	sdelay $0x3  }
0x34: {  	[smem:$0x3FA9] =	sst s10  }
0x35: {  	s10 =	sld [smem:$0x3FA8];
	_ =	sdelay $0x3  }
0x36: {  	p1 =	seq.s32 s10, $0x1;
	s10 =	sld [smem:$0x3FA9];
	_ =	sdelay $0x3  }
0x37: {  	[smem:$0x3FA9] =	sst s10  }
0x38: {  	s10 =	sld [smem:$0x3FAA]  }
0x39: {  	_ = 	snop;
	(pc) =	sbr.ind lr, $3  }
0x3a: {  	_ = 	snop  }
0x3b: {  	_ = 	snop  }
0x3c: {  	p2 =	seq.s32 s10, $0x1;
	s10 =	sld [smem:$0x3FA9]  }
0x3d: {  	_ =	shalt  }
0x3e: {  	_ =	shalt  }
0x3f: {  	_ =	shalt  }
0x40: {  	_ =	shalt  }
0x41: {  	_ =	shalt  }
0x42: {  	_ =	shalt  }
0x43: {  	_ =	shalt  }
0x44: {  	_ =	shalt  }
0x45: {  	_ =	shalt  }
0x46: {  	_ =	shalt  }
0x47: {  	_ =	shalt  }
0x48: {  	_ =	shalt  }
0x49: {  	_ =	shalt  }
0x4a: {  	_ =	shalt  }
0x4b: {  	_ =	shalt  }
0x4c: {  	_ =	shalt  }
0x4d: {  	_ =	shalt  }
0x4e: {  	_ =	shalt  }
0x4f: {  	_ =	shalt  }
0x50: {  	_ =	shalt  }
0x51: {  	_ =	shalt  }
0x52: {  	_ =	shalt  }
0x53: {  	_ =	shalt  }
0x54: {  	_ =	shalt  }
0x55: {  	_ =	shalt  }
0x56: {  	_ =	shalt  }
0x57: {  	_ =	shalt  }
0x58: {  	_ =	shalt  }
0x59: {  	_ =	shalt  }
0x5a: {  	_ =	shalt  }
0x5b: {  	_ =	shalt  }
0x5c: {  	_ =	shalt  }
0x5d: {  	_ =	shalt  }
0x5e: {  	_ =	shalt  }
0x5f: {  	_ =	shalt  }
0x60: {  	_ =	shalt  }
0x61: {  	_ =	shalt  }
0x62: {  	_ =	shalt  }
0x63: {  	_ =	shalt  }
0x64: {  	_ =	shalt  }
0x65: {  	_ =	shalt  }
0x66: {  	_ =	shalt  }
0x67: {  	_ =	shalt  }
0x68: {  	_ =	shalt  }
0x69: {  	_ =	shalt  }
0x6a: {  	_ =	shalt  }
0x6b: {  	_ =	shalt  }
0x6c: {  	_ =	shalt  }
0x6d: {  	_ =	shalt  }
0x6e: {  	_ =	shalt  }
0x6f: {  	_ =	shalt  }
0x70: {  	_ =	shalt  }
0x71: {  	_ =	shalt  }
0x72: {  	_ =	shalt  }
0x73: {  	_ =	shalt  }
0x74: {  	_ =	shalt  }
0x75: {  	_ =	shalt  }
0x76: {  	_ =	shalt  }
0x77: {  	_ =	shalt  }
0x78: {  	_ =	shalt  }
0x79: {  	_ =	shalt  }
0x7a: {  	_ =	shalt  }
0x7b: {  	_ =	shalt  }
0x7c: {  	_ =	shalt  }
0x7d: {  	_ =	shalt  }
0x7e: {  	_ =	shalt  }
0x7f: {  	_ =	shalt  }
0x80: {  	_ =	shalt  }
0x81: {  	_ =	shalt  }
0x82: {  	_ =	shalt  }
0x83: {  	_ =	shalt  }
0x84: {  	_ =	shalt  }
0x85: {  	_ =	shalt  }
0x86: {  	_ =	shalt  }
0x87: {  	_ =	shalt  }
.Lfunc_end0:
.L_simem_size_0:
called_computation.1_lowered:
.L_overlay_start_0:
0x88: {  	s2 =	sld [smem:$0x3FD9]  }
0x89: {  	s3 =	sld [smem:$0x3FFE];
	_ =	sdelay $0x1  }
0x8a: {  	s1 =	srdreg.scid  }
0x8b: {  	s0 =	sand.u32 $0x1, s1  }
0x8c: {  	s17 =	sshll.u32 s0, $0xA;
	s2 =	sadd.s32 s3, s2  }
0x8d: {  	s2 =	sadd.s32 s2, s17  }
0x8e: {  	[smem:$0x3FB5] =	sst s2  }
0x8f: {  	_ = 	snop  }
0x90: {  	s2 =	sld [smem:$0x3FD0];
	(tm) =	ssettm $0x1  }
0x91: {  	s18 =	sld [smem:$0x3FFB];
	_ =	sdelay $0x3  }
0x92: {  	_ =	strace s18  }
0x93: {  	s3 =	sld [smem:$0x3FFC];
	_ =	sdelay $0x3  }
0x94: {  	_ =	strace s3  }
0x95: {  	s3 =	sld [smem:$0x3FFD];
	_ =	sdelay $0x3  }
0x96: {  	_ =	strace s3  }
0x97: {  	_ =	strace $0x8FFFFFFF  }
0x98: {  	s19 =	sld [smem:$0x3FDB];
	_ =	sdelay $0x1  }
0x99: {  	s4 =	simm.s32 $_scs_section_size  }
0x9a: {  	s5 =	simm.s32 $_size__tile_overlayer_lowered;
	s6 =	simm.s32 $_tile_overlayer_lowered  }
0x9b: {  	s22 =	simm.s32 $0x1BFF;
	s21 =	sshll.u32 s6, $0x1;
	s3 =	sadd.s32 s4, s19  }
0x9c: {  	s7 =	simm.s32 $0x0;
	s20 =	sshll.u32 s5, $0x1;
	s5 =	sadd.s32 s21, s3  }
0x9d: {  	[timem:s7], [sflag:s22] =	dma.local [hbm:s5], s20  }
0x9e: {  	_ =	swait.ge [sflag:s22], s20  }
0x9f: {  	s4 =	ssub.s32 $0x0, s20;
	[sflag:s22] =	ssyncset.done $0x0  }
0xa0: {  	[sflag:s22] =	ssyncadd.s32 s4;
	_ =	sdelay $0x1  }
0xa1: {  	s23 =	simm.s32 $0x1B8B  }
0xa2: {  	_ =	swait.ge [sflag:s23], $0x1  }
0xa3: {  	[sflag:s23] =	ssyncset.done $0x0  }
0xa4: {  	s25 =	simm.s32 $0x1B8E;
	s24 =	sld [smem:$0x3FFE];
	[sflag:s23] =	ssyncadd.s32 $0xFFFFFFFF  }
0xa5: {  	s26 =	simm.s32 $execute0_lowered;
	[smem:$0x3FD2] =	sst s25  }
0xa6: {  	s5 =	sshll.u32 s26, $0x1;
	_ =	strace $0x80000046;
	[dreg:$0x1] =	wrdreg $0xFFFFFFFF  }
0xa7: {  	s28 =	simm.s32 $_size_execute0_lowered;
	s3 =	sadd.s32 s3, s5;
	[dreg:$0x0] =	wrdreg $0x0  }
0xa8: {  	s5 =	sshll.u32 s28, $0x1;
	[dreg:$0x2] =	wrdreg s3  }
0xa9: {  	[dreg:$0x3] =	wrdreg s5  }
0xaa: {  	[dreg:$0x4] =	wrdreg $0xC0  }
0xab: {  	_ =	task [dreg:s7], $0x5FFFF  }
0xac: {  	[dreg:$0x1] =	wrdreg $0xFFFFFFFF  }
0xad: {  	[dreg:$0x0] =	wrdreg $0x60  }
0xae: {  	[dreg:$0x2] =	wrdreg s24  }
0xaf: {  	[dreg:$0x3] =	wrdreg s2  }
0xb0: {  	[dreg:$0x4] =	wrdreg $0x9  }
0xb1: {  	_ =	task.clear_ibuf [dreg:s7], $0x5FFFF;
	_ =	strace $0x90000046  }
0xb2: {  	s29 =	simm.s32 $0x9;
	_ =	strace $0x80000048  }
0xb3: {  	_ =	swait.ge [sflag:s29], $0x1  }
0xb4: {  	[sflag:s29] =	ssyncadd.s32 $0xFFFFFFFF  }
0xb5: {  	_ =	strace $0x90000048  }
0xb6: {  	_ =	sfence  }
0xb7: {  	s30 =	sld [smem:$0x0];
	_ =	sdelay $0x2  }
0xb8: {  	s31 =	sshll.u32 s1, $0xD;
	s1 =	sshrl.u32 s1, $0x2  }
0xb9: {  	s3 =	sand.u32 $0x4000, s31;
	s1 =	sadd.s32 s1, s30  }
0xba: {  	s0 =	sor.u32 s3, s0;
	s1 =	sshll.u32 s1, $0x11  }
0xbb: {  	s0 =	sor.u32 s1, s0  }
0xbc: {  	s0 =	sadd.s32 $0x8F2B, s0  }
0xbd: {  	[sflag:s0] =	ssyncadd.remote.s32 $0x1  }
0xbe: {  	_ =	sfence.sel $0xFFFF  }
0xbf: {  	[dreg:$0x0] =	wrdreg $0xFFFFFFFF;
	(pc) =	sbr.abs _section_cstart, $3  }
0xc0: {  	[dreg:$0x1] =	wrdreg $0xFFFFFFFF  }
0xc1: {  	_ =	task.clear_ibuf [dreg:s7], $0x2FFFF;
	_ =	strace $0x9FFFFFFF  }
0xc2: {  	(tm) =	ssettm $0x7FFFFFFF  }
0xc3: {  	_ =	shalt  }
tec
execute0_lowered:
.L_overlay_start_1:
0x0: {  	(tag) =	ssettag $0x1  }
0x1: {  	s4 =	rddreg [dreg:$0x0]  }
0x2: {  	s14 =	rddreg [dreg:$0x1]  }
0x3: {  	s0 =	rddreg [dreg:$0x2]  }
0x4: {  	s2 =	simm.s32 $0x0;
	s3 =	srdreg.scid;
	s1 =	stileid.u32  }
0x5: {  	s17 =	simm.s32 $0x1;
	s18 =	simm.s32 $0x80;
	s19 =	simm.s32 $0x180  }
0x6: {  	s20 =	simm.s32 $0x4300;
	s21 =	simm.s32 $0x200;
	s22 =	simm.s32 $0x2  }
0x7: {  	s23 =	simm.s32 $0x280;
	s24 =	simm.s32 $0x0;
	[smem:$0x7FF] =	sst s2  }
0x8: {  	s7 =	sand.u32 $0x1, s3;
	s25 =	sshll.u32 s1, $0x1;
	s8 =	smul.u32 $0x4800, s1  }
0x9: {  	s9 =	sadd.s32 $0x902400, s4;
	s13 =	sadd.s32 $0x2400, s4;
	s16 =	smul.u32 $0x48000, s1  }
0xa: {  	s3 =	sadd.s32 $0x14400, s4;
	s12 =	sadd.s32 $0xB400, s4;
	s11 =	smul.u32 $0x2400, s7  }
0xb: {  	s5 =	sor.u32 s7, s25;
	s26 =	ssub.s32 $0x2, s7;
	s28 =	smul.u32 $0x24000, s7  }
0xc: {  	_ =	strace $0x80000047;
	s6 =	smul.u32 $0x2400, s5;
	s10 =	sshrl.u32 s26, $0x1  }
0xd: {  	s15 =	smul.u32 $0x24000, s5;
	s10 =	ssub.s32 s26, s10;
	s11 =	sadd.s32 s11, s8  }
0xe: {  	s6 =	sshrl.u32 s6, $0x3;
	s8 =	sshrl.u32 s11, $0x3;
	s7 =	smax.u32 s10, $0x1  }
0xf: {  	s29 =	sor.u32 $0x100, s11;
	s11 =	sor.u32 $0x80, s11;
	s4 =	sadd.s32 s14, s6  }
0x10: {  	s5 =	sadd.s32 s13, s6;
	s6 =	sadd.s32 s9, s15;
	s8 =	sadd.s32 s8, s12  }
0x11: {  	s9 =	sadd.s32 s16, s9;
	s30 =	sshrl.u32 s29, $0x3;
	s31 =	sshrl.u32 s11, $0x3  }
0x12: {  	s15 =	simm.s32 $0x100;
	s16 =	simm.s32 $0x300;
	s9 =	sadd.s32 s28, s9  }
0x13: {  	s10 =	sadd.s32 s30, s13;
	s11 =	sadd.s32 s30, s14;
	s12 =	sadd.s32 s31, s12  }
0x14: {  	s13 =	sadd.s32 s31, s13;
	s14 =	sadd.s32 s31, s14;
	s9 =	sadd.s32 $0x1000, s9  }
.LBB2_1:
0x15: {  	[tilespmem:s2], [sflag:$0x1] =	stream.linear.gather [hbm4b:s4+s2], $0x80, $0x38;
	[tilespmem:$0x8300] =	vst v63  }
0x16: {  	_ = 	snop  }
0x17: {  	[tilespmem:s15], [sflag:$0x1] =	stream.linear.gather [hbm4b:s5+s2], $0x80, $0x38;
	[tilespmem:$0x8300] =	vst v63  }
0x18: {  	s25 =	smov.u32 s9;
	s26 =	simm.s32 $0x0  }
0x19: {  	[tilespmem:s16], [sflag:$0x1] =	stream.linear.gather [hbm4b:s6+s2], $0x4000, $0x38;
	[tilespmem:$0x8300] =	vst v63  }
.LBB2_2:
0x1a: {  	_ =	swait.ge [sflag:s17], $0x80  }
0x1b: {  	[sflag:s17] =	ssyncset.done $0x0  }
0x1c: {  	[sflag:s17] =	ssyncadd.s32 $0xFFFFFF80  }
0x1d: {  	_ =	swait.ge [sflag:s17], $0x80  }
0x1e: {  	[sflag:s17] =	ssyncset.done $0x0  }
0x1f: {  	[sflag:s17] =	ssyncadd.s32 $0xFFFFFF80  }
0x20: {  	_ =	swait.ge [sflag:s17], $0x4000  }
0x21: {  	[sflag:s17] =	ssyncset.done $0x0  }
0x22: {  	s28 =	sadd.s32 s26, s14;
	[sflag:s17] =	ssyncadd.s32 $0xFFFFC000  }
0x23: {  	[tilespmem:s18], [sflag:$0x1] =	stream.linear.gather [hbm4b:s28+s2], $0x80, $0x38;
	[tilespmem:$0x8300] =	vst v63  }
0x24: {  	s31 =	sadd.s32 s26, s13  }
0x25: {  	[tilespmem:s19], [sflag:$0x1] =	stream.linear.gather [hbm4b:s31+s2], $0x80, $0x38;
	[tilespmem:$0x8300] =	vst v63  }
0x26: {  	s29 =	sadd.s32 $0xFFFFF800, s25  }
0x27: {  	[tilespmem:s20], [sflag:$0x1] =	stream.linear.gather [hbm4b:s29+s2], $0x4000, $0x38;
	[tilespmem:$0x8300] =	vst v63  }
0x28: {  	v0 =	vld [tilespmem:$0x0]  }
0x29: {  	v1 =	vld [tilespmem:$0x100]  }
0x2a: {  	v2 =	vld [tilespmem:$0x10]  }
0x2b: {  	v3 =	vld [tilespmem:$0x110]  }
0x2c: {  	v4 =	vld [tilespmem:$0x20]  }
0x2d: {  	v5 =	vld [tilespmem:$0x120]  }
0x2e: {  	v6 =	vld [tilespmem:$0x30]  }
0x2f: {  	v7 =	vld [tilespmem:$0x130]  }
0x30: {  	v8 =	vld [tilespmem:$0x40]  }
0x31: {  	v9 =	vld [tilespmem:$0x140]  }
0x32: {  	v10 =	vld [tilespmem:$0x50]  }
0x33: {  	v11 =	vld [tilespmem:$0x150]  }
0x34: {  	v12 =	vld [tilespmem:$0x60]  }
0x35: {  	v31 =	vld [tilespmem:$0x160];
	v0 =	vadd.s32 v0, v1  }
0x36: {  	v33 =	vld [tilespmem:$0x70];
	v32 =	vadd.s32 v2, v3;
	[tilespmem:$0x200] =	vst v0  }
0x37: {  	v35 =	vld [tilespmem:$0x170];
	v34 =	vadd.s32 v4, v5;
	[tilespmem:$0x210] =	vst v32  }
0x38: {  	v36 =	vadd.s32 v6, v7;
	[tilespmem:$0x220] =	vst v34  }
0x39: {  	v37 =	vadd.s32 v8, v9;
	[tilespmem:$0x230] =	vst v36  }
0x3a: {  	v38 =	vadd.s32 v10, v11;
	[tilespmem:$0x240] =	vst v37  }
0x3b: {  	v39 =	vadd.s32 v12, v31;
	[tilespmem:$0x250] =	vst v38  }
0x3c: {  	v40 =	vadd.s32 v33, v35;
	[tilespmem:$0x260] =	vst v39  }
0x3d: {  	s30 =	sadd.s32 s26, s8;
	[tilespmem:$0x270] =	vst v40  }
0x3e: {  	[hbm4b:s30+s2] =	stream.linear.scatter [tilespmem:s21], [sflag:$0x2], $0x80, $0x38;
	[tilespmem:$0x8300] =	vst v63  }
0x3f: {  	_ = 	snop  }
0x40: {  	[hbm4b:s3+s18] =	stream.indirect.scatter [tilespmem:s16], [sflag:$0x2], $0x80, s21, s18, $0xb8;
	[tilespmem:$0x8300] =	vst v63  }
0x41: {  	_ =	swait.ge [sflag:s22], $0x80  }
0x42: {  	[sflag:s22] =	ssyncset.done $0x0  }
0x43: {  	[sflag:s22] =	ssyncadd.s32 $0xFFFFFF80  }
0x44: {  	_ =	swait.ge [sflag:s22], $0x4000  }
0x45: {  	[sflag:s22] =	ssyncset.done $0x0  }
0x46: {  	[sflag:s22] =	ssyncadd.s32 $0xFFFFC000  }
0x47: {  	_ =	swait.ge [sflag:s17], $0x80  }
0x48: {  	[sflag:s17] =	ssyncset.done $0x0  }
0x49: {  	[sflag:s17] =	ssyncadd.s32 $0xFFFFFF80  }
0x4a: {  	_ =	swait.ge [sflag:s17], $0x80  }
0x4b: {  	[sflag:s17] =	ssyncset.done $0x0  }
0x4c: {  	[sflag:s17] =	ssyncadd.s32 $0xFFFFFF80  }
0x4d: {  	_ =	swait.ge [sflag:s17], $0x4000  }
0x4e: {  	p0 =	seq.s32 s26, $0x460;
	[sflag:s17] =	ssyncset.done $0x0  }
0x4f: {  	s28 =	sadd.s32 @!p0 s26, s11;
	s29 =	simm.s32 @!p0 $0x0;
	[sflag:s17] =	ssyncadd.s32 $0xFFFFC000  }
0x50: {  	[tilespmem:s29], [sflag:$0x1] =	stream.linear.gather @!p0 [hbm4b:s28+s29], $0x80, $0x38;
	[tilespmem:$0x8300] =	vst v63  }
0x51: {  	s30 =	simm.s32 @!p0 $0x100;
	s28 =	sadd.s32 @!p0 s26, s10  }
0x52: {  	[tilespmem:s30], [sflag:$0x1] =	stream.linear.gather @!p0 [hbm4b:s28+s29], $0x80, $0x38;
	[tilespmem:$0x8300] =	vst v63  }
0x53: {  	s28 =	simm.s32 @!p0 $0x300  }
0x54: {  	[tilespmem:s28], [sflag:$0x1] =	stream.linear.gather @!p0 [hbm4b:s25+s29], $0x4000, $0x38;
	[tilespmem:$0x8300] =	vst v63  }
0x55: {  	v41 =	vld [tilespmem:$0x80]  }
0x56: {  	v42 =	vld [tilespmem:$0x180]  }
0x57: {  	v43 =	vld [tilespmem:$0x90]  }
0x58: {  	v44 =	vld [tilespmem:$0x190]  }
0x59: {  	v45 =	vld [tilespmem:$0xA0]  }
0x5a: {  	v46 =	vld [tilespmem:$0x1A0]  }
0x5b: {  	v47 =	vld [tilespmem:$0xB0]  }
0x5c: {  	v48 =	vld [tilespmem:$0x1B0]  }
0x5d: {  	v49 =	vld [tilespmem:$0xC0]  }
0x5e: {  	v50 =	vld [tilespmem:$0x1C0]  }
0x5f: {  	v51 =	vld [tilespmem:$0xD0]  }
0x60: {  	v52 =	vld [tilespmem:$0x1D0]  }
0x61: {  	v53 =	vld [tilespmem:$0xE0]  }
0x62: {  	v54 =	vld [tilespmem:$0x1E0];
	v0 =	vadd.s32 v41, v42  }
0x63: {  	v56 =	vld [tilespmem:$0xF0];
	v55 =	vadd.s32 v43, v44;
	[tilespmem:$0x280] =	vst v0  }
0x64: {  	v58 =	vld [tilespmem:$0x1F0];
	v57 =	vadd.s32 v45, v46;
	[tilespmem:$0x290] =	vst v55  }
0x65: {  	v59 =	vadd.s32 v47, v48;
	[tilespmem:$0x2A0] =	vst v57  }
0x66: {  	v60 =	vadd.s32 v49, v50;
	[tilespmem:$0x2B0] =	vst v59  }
0x67: {  	v61 =	vadd.s32 v51, v52;
	[tilespmem:$0x2C0] =	vst v60  }
0x68: {  	v62 =	vadd.s32 v53, v54;
	[tilespmem:$0x2D0] =	vst v61  }
0x69: {  	v63 =	vadd.s32 v56, v58;
	[tilespmem:$0x2E0] =	vst v62  }
0x6a: {  	s31 =	sadd.s32 s26, s12;
	[tilespmem:$0x2F0] =	vst v63  }
0x6b: {  	[hbm4b:s31+s2] =	stream.linear.scatter [tilespmem:s23], [sflag:$0x2], $0x80, $0x38;
	[tilespmem:$0x8300] =	vst v63  }
0x6c: {  	s26 =	sadd.s32 $0x20, s26  }
0x6d: {  	[hbm4b:s3+s18] =	stream.indirect.scatter [tilespmem:s20], [sflag:$0x2], $0x80, s23, s18, $0xb8;
	[tilespmem:$0x8300] =	vst v63  }
0x6e: {  	p0 =	sne.s32 s26, $0x480;
	_ =	swait.ge [sflag:s22], $0x80  }
.Ltmp0:
0x6f: {  	[sflag:s22] =	ssyncset.done $0x0;
	(pc) =	sbr.rel @p0 .LBB2_2-.Ltmp0, $4  }
0x70: {  	[sflag:s22] =	ssyncadd.s32 $0xFFFFFF80  }
0x71: {  	_ =	swait.ge [sflag:s22], $0x4000  }
0x72: {  	[sflag:s22] =	ssyncset.done $0x0  }
0x73: {  	s25 =	sadd.s32 $0x1000, s25;
	[sflag:s22] =	ssyncadd.s32 $0xFFFFC000  }
0x74: {  	s24 =	sadd.s32 $0x1, s24  }
0x75: {  	p0 =	sne.s32 s24, s7  }
.Ltmp1:
0x76: {  	_ = 	snop;
	(pc) =	sbr.rel @p0 .LBB2_1-.Ltmp1, $1  }
0x77: {  	_ =	sdelay $0x3  }
0x78: {  	_ =	sfence.sel $0x180000  }
0x79: {  	[bflag:$0x0] =	sbarrier.arrive $0xFFFF  }
0x7a: {  	p0 =	sne.s32 s1, $0x0;
	_ =	strace $0x90000047  }
0x7b: {  	s0 =	sadd.s32 @!p0 $0x100000, s0;
	[bflag:$0x2] =	sbarrier.arrive $0xFFFF  }
0x7c: {  	[sflag:s0] =	ssyncadd.tile.s32 @!p0 $0x1;
	_ =	shalt  }
.Lfunc_end2:
_tile_overlayer_lowered:
.L_overlay_start_2:
0x7d: {  	(tag) =	ssettag $0x2  }
0x7e: {  	s0 =	rddreg [dreg:$0x0];
	s2 =	stileid.u32  }
0x7f: {  	s1 =	rddreg [dreg:$0x1];
	p0 =	sne.s32 s2, $0x0  }
0x80: {  	s3 =	rddreg [dreg:$0x2];
	[bflag:$0x3] =	sbarrier.arrive $0xFFFF;
	s2 =	simm.s32 @!p0 $0x1C03  }
0x81: {  	[timem:s3], [sflag:s2] =	dma.local @!p0 [hbm:s0], s1  }
0x82: {  	s0 =	simm.s32 @!p0 $0x3  }
0x83: {  	_ =	swait.ge @!p0 [sflag:s0], s1  }
0x84: {  	s1 =	ssub.s32 @!p0 $0x0, s1;
	[sflag:s0] =	ssyncset.done @!p0 $0x0  }
0x85: {  	[sflag:s0] =	ssyncadd.s32 @!p0 s1  }
0x86: {  	[bflag:$0x3] =	sbarrier.arrive $0xFFFF  }
0x87: {  	_ =	shalt  }

</sc_bundles>
